<compile_context>
chip_gen: v7x
topology: tpu7x:2x2x1
jax: 0.10.2.dev20260603
libtpu: 0.0.44.dev20260713+nightly
codegen_flags: <defaults>
</compile_context>

<pallas_src>
import jax
import jax.numpy as jnp
from jax import lax
from jax.experimental import pallas as pl
from jax.experimental.pallas import tpu as pltpu
from jax.experimental.pallas import tpu_sc as plsc

_N = 10000
_D = 128
_G = 64
_NC = 2
_NS = 16
_NW = _NC * _NS
_K = 128
_NP = 10240
_RPS = _NP // _NS


def _ceil_div(a, b):
    return -(-a // b)



def _zero_fill(ref, value):
    def fill(t, carry):
        ref[t // 8, pl.ds((t % 8) * 16, 16)] = jnp.full((16,), value, jnp.float32)
        return carry

    lax.fori_loop(0, _K * (_D // 16), fill, 0)


def _scatter_call(hp, srcp, dstp):
    nch = srcp.shape[1]

    def body(hp_hbm, src_hbm, dst_hbm, out_hbm, srcb, dstb, gb, acc, sem):
        c = lax.axis_index("c")
        s = lax.axis_index("s")
        wid = c * _NS + s

        _zero_fill(gb, 0.0)
        base = s * _RPS
        for r in range(_RPS // _K):
            pltpu.sync_copy(gb, acc.at[pl.ds(base + r * _K, _K)])

        pltpu.sync_copy(src_hbm.at[wid], srcb)
        pltpu.sync_copy(dst_hbm.at[wid], dstb)
        plsc.subcore_barrier()

        def step(j, carry):
            pltpu.async_copy(hp_hbm.at[srcb.at[j]], gb, sem).wait()
            pltpu.sync_copy(gb, acc.at[dstb.at[j]], add=True)
            return carry

        lax.fori_loop(0, nch, step, 0)
        plsc.subcore_barrier()
        pltpu.sync_copy(acc.at[pl.ds(base, _RPS)],
                        out_hbm.at[c, pl.ds(base, _RPS)])

    return pl.kernel(
        body,
        out_type=jax.ShapeDtypeStruct((_NC, _NP, _D), jnp.float32),
        mesh=plsc.VectorSubcoreMesh(core_axis_name="c", subcore_axis_name="s"),
        scratch_types=[
            pltpu.VMEM((nch, _K), jnp.int32),
            pltpu.VMEM((nch, _K), jnp.int32),
            pltpu.VMEM((_K, _D), jnp.float32),
            pltpu.VMEM_SHARED((_NP, _D), jnp.float32),
            pltpu.SemaphoreType.DMA,
        ],
    )(hp, srcp, dstp)


def _deg_call(dstp):
    nch = dstp.shape[1]

    def body(dst_hbm, out_hbm, dstb, gb, acc):
        c = lax.axis_index("c")
        s = lax.axis_index("s")
        wid = c * _NS + s

        _zero_fill(gb, 0.0)
        base = s * _RPS
        for r in range(_RPS // _K):
            pltpu.sync_copy(gb, acc.at[pl.ds(base + r * _K, _K)])

        _zero_fill(gb, 1.0)
        pltpu.sync_copy(dst_hbm.at[wid], dstb)
        plsc.subcore_barrier()

        def step(j, carry):
            pltpu.sync_copy(gb, acc.at[dstb.at[j]], add=True)
            return carry

        lax.fori_loop(0, nch, step, 0)
        plsc.subcore_barrier()
        pltpu.sync_copy(acc.at[pl.ds(base, _RPS)],
                        out_hbm.at[c, pl.ds(base, _RPS)])

    return pl.kernel(
        body,
        out_type=jax.ShapeDtypeStruct((_NC, _NP, _D), jnp.float32),
        mesh=plsc.VectorSubcoreMesh(core_axis_name="c", subcore_axis_name="s"),
        scratch_types=[
            pltpu.VMEM((nch, _K), jnp.int32),
            pltpu.VMEM((_K, _D), jnp.float32),
            pltpu.VMEM_SHARED((_NP, _D), jnp.float32),
        ],
    )(dstp)



def _rsqrt(v):
    r = lax.rsqrt(v)
    r = r * (1.5 - 0.5 * v * r * r)
    r = r * (1.5 - 0.5 * v * r * r)
    return r


def _colmean(v):
    n = v.shape[0]
    ones_row = jnp.ones((1, n), jnp.float32)
    return lax.dot_general(ones_row, v, (((1,), (0,)), ((), ())),
                           preferred_element_type=jnp.float32,
                           precision=lax.Precision.HIGHEST) * (1.0 / n)


def _bn_relu(v, gamma, beta):
    mu = _colmean(v)
    var = _colmean((v - mu) ** 2)
    return jnp.maximum((v - mu) * _rsqrt(var + 1e-5) * gamma + beta, 0.0)


def _tc1_body(x_ref, w_ref, dpt_ref, h_ref, dinv_ref):
    dpt = dpt_ref[...]
    deg = dpt[:_N, 0:1] + dpt[:_N, 1:2] + 1.0
    dinv = _rsqrt(deg)
    h = jnp.dot(x_ref[...], w_ref[...], preferred_element_type=jnp.float32)
    h_ref[pl.ds(0, _N), :] = h * dinv
    h_ref[pl.ds(_N, _NP - _N), :] = jnp.zeros((_NP - _N, _D), jnp.float32)
    dinv_ref[...] = dinv


def _tc1_call(x, W1, dpt):
    return pl.pallas_call(
        _tc1_body,
        out_shape=(jax.ShapeDtypeStruct((_NP, _D), jnp.float32),
                   jax.ShapeDtypeStruct((_N, 1), jnp.float32)),
    )(x, W1, dpt)


def _tc2_body(p_ref, hp_ref, dinv_ref, b_ref, g_ref, be_ref, w_ref, out_ref):
    tot = p_ref[0] + p_ref[1] + hp_ref[...]
    dinv = dinv_ref[...]
    conv = tot[:_N] * dinv + b_ref[...]
    a = _bn_relu(conv, g_ref[...], be_ref[...])
    h2 = jnp.dot(a, w_ref[...], preferred_element_type=jnp.float32)
    out_ref[pl.ds(0, _N), :] = h2 * dinv
    out_ref[pl.ds(_N, _NP - _N), :] = jnp.zeros((_NP - _N, _D), jnp.float32)


def _tc2_call(p, hp, dinv, b1, g1, be1, W2):
    return pl.pallas_call(
        _tc2_body,
        out_shape=jax.ShapeDtypeStruct((_NP, _D), jnp.float32),
    )(p, hp, dinv, b1, g1, be1, W2)


def _tc3_body(p_ref, hp_ref, dinv_ref, b_ref, g_ref, be_ref, bt_ref,
              w1_ref, b1_ref, g1_ref, be1_ref,
              w2_ref, b2_ref, g2_ref, be2_ref,
              w3_ref, b3_ref, w4_ref, b4_ref, out_ref):
    tot = p_ref[0] + p_ref[1] + hp_ref[...]
    conv = tot[:_N] * dinv_ref[...] + b_ref[...]
    a = _bn_relu(conv, g_ref[...], be_ref[...])
    gid = lax.broadcasted_iota(jnp.int32, (_N, _G), 1)
    onehot = (bt_ref[...] == gid).astype(jnp.float32)
    hi = lax.Precision.HIGHEST
    sums = lax.dot_general(onehot, a, (((0,), (0,)), ((), ())),
                           preferred_element_type=jnp.float32,
                           precision=hi)
    cnt = lax.dot_general(onehot, jnp.ones((_N, 1), jnp.float32),
                          (((0,), (0,)), ((), ())),
                          preferred_element_type=jnp.float32,
                          precision=hi)
    pooled = sums / jnp.maximum(cnt, 1.0)
    z = _bn_relu(jnp.dot(pooled, w1_ref[...]) + b1_ref[...],
                 g1_ref[...], be1_ref[...])
    z = _bn_relu(jnp.dot(z, w2_ref[...]) + b2_ref[...],
                 g2_ref[...], be2_ref[...])
    z = jnp.maximum(jnp.dot(z, w3_ref[...]) + b3_ref[...], 0.0)
    out_ref[...] = jnp.dot(z, w4_ref[...]) + b4_ref[...]


def _tc3_call(p, hp, dinv, b2, g2, be2, batch2d,
              Wo1, bo1, go1, beo1, Wo2, bo2, go2, beo2, Wo3, bo3, Wo4, bo4):
    return pl.pallas_call(
        _tc3_body,
        out_shape=jax.ShapeDtypeStruct((_G, 1), jnp.float32),
    )(p, hp, dinv, b2, g2, be2, batch2d,
      Wo1, bo1, go1, beo1, Wo2, bo2, go2, beo2, Wo3, bo3, Wo4, bo4)



def kernel(x, edge_index, batch,
           W1, b1, g1, be1, W2, b2, g2, be2,
           Wo1, bo1, go1, beo1, Wo2, bo2, go2, beo2, Wo3, bo3, Wo4, bo4):
    e = edge_index.shape[1]
    nch = _ceil_div(e, _NW * _K)
    epad = _NW * nch * _K
    padidx = jnp.full((epad - e,), _N, jnp.int32)
    srcp = jnp.concatenate([edge_index[0], padidx]).reshape(_NW, nch, _K)
    dstp = jnp.concatenate([edge_index[1], padidx]).reshape(_NW, nch, _K)

    pdeg = _deg_call(dstp)
    dpt = pdeg[:, :, 0].T
    h1p, dinv = _tc1_call(x, W1, dpt)
    p1 = _scatter_call(h1p, srcp, dstp)
    h2p = _tc2_call(p1, h1p, dinv, b1[None], g1[None], be1[None], W2)
    p2 = _scatter_call(h2p, srcp, dstp)
    out = _tc3_call(p2, h2p, dinv, b2[None], g2[None], be2[None],
                    batch[:, None],
                    Wo1, bo1[None], go1[None], beo1[None],
                    Wo2, bo2[None], go2[None], beo2[None],
                    Wo3, bo3[None], Wo4, bo4[None])
    return out.reshape(-1)

# --- scband reference (transcript-rebuilt; emitter-appended) ---
"""Pipeline reference for scband-net-68384469287506 (READ-ONLY COPY).

The authoritative reference and input builder live on the scoring server;
editing this copy changes nothing except your own understanding.
"""

import jax, jax.numpy as jnp
import numpy as np

N = 10000
E = 320000
D = 128
G = 64


def _glorot(key, shape):
    lim = np.sqrt(6.0 / (shape[0] + shape[1]))
    return jax.random.uniform(key, shape, jnp.float32, -lim, lim)


def setup_inputs(seed: int = 0):
    key = jax.random.key(seed)
    ks = jax.random.split(key, 24)
    inp = {}
    inp['x'] = jax.random.normal(ks[0], (N, D), jnp.float32)
    inp['edge_index'] = jax.random.randint(ks[1], (2, E), 0, N, jnp.int32)
    inp['batch'] = jnp.sort(jax.random.randint(ks[2], (N,), 0, G, jnp.int32))
    inp['W1'] = _glorot(ks[3], (D, D)); inp['b1'] = jnp.zeros((D,), jnp.float32)
    inp['g1'] = jnp.ones((D,), jnp.float32); inp['be1'] = jnp.zeros((D,), jnp.float32)
    inp['W2'] = _glorot(ks[4], (D, D)); inp['b2'] = jnp.zeros((D,), jnp.float32)
    inp['g2'] = jnp.ones((D,), jnp.float32); inp['be2'] = jnp.zeros((D,), jnp.float32)
    inp['Wo1'] = _glorot(ks[5], (D, 256)); inp['bo1'] = jnp.zeros((256,), jnp.float32)
    inp['go1'] = jnp.ones((256,), jnp.float32); inp['beo1'] = jnp.zeros((256,), jnp.float32)
    inp['Wo2'] = _glorot(ks[6], (256, 128)); inp['bo2'] = jnp.zeros((128,), jnp.float32)
    inp['go2'] = jnp.ones((128,), jnp.float32); inp['beo2'] = jnp.zeros((128,), jnp.float32)
    inp['Wo3'] = _glorot(ks[7], (128, 64)); inp['bo3'] = jnp.zeros((64,), jnp.float32)
    inp['Wo4'] = _glorot(ks[8], (64, 1)); inp['bo4'] = jnp.zeros((1,), jnp.float32)
    return inp


def _gcn_conv(x, edge_index, W, b):
    n = x.shape[0]
    loop = jnp.arange(n, dtype=edge_index.dtype)
    src = jnp.concatenate([edge_index[0], loop])
    dst = jnp.concatenate([edge_index[1], loop])
    deg = jnp.zeros((n,), x.dtype).at[dst].add(1.0)
    dinv = jnp.where(deg > 0, 1.0 / jnp.sqrt(deg), 0.0)
    norm = dinv[src] * dinv[dst]
    h = x @ W
    msg = h[src] * norm[:, None]
    out = jnp.zeros((n, h.shape[1]), x.dtype).at[dst].add(msg)
    return out + b


def _bn(x, gamma, beta):
    mu = jnp.mean(x, axis=0)
    var = jnp.var(x, axis=0)
    return (x - mu) / jnp.sqrt(var + 1e-5) * gamma + beta


def reference(x, edge_index, batch, W1, b1, g1, be1, W2, b2, g2, be2, Wo1, bo1, go1, beo1, Wo2, bo2, go2, beo2, Wo3, bo3, Wo4, bo4):
    h = jax.nn.relu(_bn(_gcn_conv(x, edge_index, W1, b1), g1, be1))
    h = jax.nn.relu(_bn(_gcn_conv(h, edge_index, W2, b2), g2, be2))
    sums = jax.ops.segment_sum(h, batch, num_segments=G)
    cnt = jax.ops.segment_sum(jnp.ones((h.shape[0],), h.dtype), batch, num_segments=G)
    pooled = sums / jnp.maximum(cnt, 1.0)[:, None]
    z = jax.nn.relu(_bn(pooled @ Wo1 + bo1, go1, beo1))
    z = jax.nn.relu(_bn(z @ Wo2 + bo2, go2, beo2))
    z = jax.nn.relu(z @ Wo3 + bo3)
    out = (z @ Wo4 + bo4).reshape(-1)
    return out

if __name__ == "__main__":
    import jax
    _d = setup_inputs()
    print(jax.jit(kernel)(*tuple(_d.values())))

</pallas_src>

<mosaic_0001>
#map = affine_map<(d0, d1) -> (0, 0)>
#map1 = affine_map<(d0, d1) -> (0, 0, 0)>
module attributes {stable_mosaic.version = 14 : i64} {
  func.func @body(%arg0: i32, %arg1: i32, %arg2: memref<10240x128xf32, #tpu.memory_space<hbm>>, %arg3: memref<32x79x128xi32, #tpu.memory_space<hbm>>, %arg4: memref<32x79x128xi32, #tpu.memory_space<hbm>>, %arg5: memref<2x10240x128xf32, #tpu.memory_space<hbm>>, %arg6: memref<79x128xi32, #tpu.memory_space<vmem>>, %arg7: memref<79x128xi32, #tpu.memory_space<vmem>>, %arg8: memref<128x128xf32, #tpu.memory_space<vmem>>, %arg9: memref<10240x128xf32, #tpu.memory_space<vmem_shared>>, %arg10: memref<!tpu.dma_semaphore, #tpu.memory_space<semaphore_mem>>) attributes {dimension_semantics = [#tpu.dimension_semantics<core_parallel>, #tpu.dimension_semantics<subcore_parallel>], iteration_bounds = array<i64: 2, 16>, scalar_prefetch = 0 : i64, scratch_operands = 5 : i64, tpu.core_type = #tpu.core_type<sc_vector_subcore>, window_params = [{transform_indices = #map}, {transform_indices = #map1}, {transform_indices = #map1}, {transform_indices = #map1}]} {
    %mul3A = arith.constant 16 : i32
    %mul3A_0 = arith.muli %arg0, %mul3A : i32
    %add3A = arith.addi %mul3A_0, %arg1 : i32
    %scan3A = arith.constant 0 : i32
    %scan3A_1 = arith.constant 0 : i32
    %scan3A_2 = arith.constant 1024 : i32
    %scan3A_3 = arith.addi %scan3A_1, %scan3A_2 : i32
    %scan3A_4 = arith.constant 1 : i32
    scf.for %scan3A_25 = %scan3A_1 to %scan3A_3 step %scan3A_4  : i32 {
      %broadcast_in_dim3A = arith.constant 0.000000e+00 : f32
      %broadcast_in_dim3A_26 = vector.broadcast %broadcast_in_dim3A : f32 to vector<16xf32>
      %jit3A = arith.constant 8 : i32
      %div3A = arith.divsi %scan3A_25, %jit3A : i32
      %sign3A = arith.constant 0 : i32
      %sign3A_27 = arith.cmpi sgt, %scan3A_25, %sign3A : i32
      %sign3A_28 = arith.extui %sign3A_27 : i1 to i32
      %sign3A_29 = arith.constant 0 : i32
      %sign3A_30 = arith.cmpi slt, %scan3A_25, %sign3A_29 : i32
      %sign3A_31 = arith.extui %sign3A_30 : i1 to i32
      %sign3A_32 = arith.subi %sign3A_28, %sign3A_31 : i32
      %sign3A_33 = arith.constant 0 : i32
      %sign3A_34 = arith.cmpi sgt, %jit3A, %sign3A_33 : i32
      %sign3A_35 = arith.extui %sign3A_34 : i1 to i32
      %sign3A_36 = arith.constant 0 : i32
      %sign3A_37 = arith.cmpi slt, %jit3A, %sign3A_36 : i32
      %sign3A_38 = arith.extui %sign3A_37 : i1 to i32
      %sign3A_39 = arith.subi %sign3A_35, %sign3A_38 : i32
      %ne3A = arith.cmpi ne, %sign3A_32, %sign3A_39 : i32
      %rem3A = arith.remsi %scan3A_25, %jit3A : i32
      %ne3A_40 = arith.constant 0 : i32
      %ne3A_41 = arith.cmpi ne, %rem3A, %ne3A_40 : i32
      %and3A = arith.andi %ne3A, %ne3A_41 : i1
      %sub3A = arith.constant 1 : i32
      %sub3A_42 = arith.subi %div3A, %sub3A : i32
      %select_n3A = arith.select %and3A, %sub3A_42, %div3A : i32
      %jit3A_43 = arith.constant 8 : i32
      %eq3A = arith.constant 0 : i32
      %eq3A_44 = arith.cmpi eq, %jit3A_43, %eq3A : i32
      %jit3A_45 = arith.constant 1 : i32
      %select_n3A_46 = arith.select %eq3A_44, %jit3A_45, %jit3A_43 : i32
      %rem3A_47 = arith.remsi %scan3A_25, %select_n3A_46 : i32
      %ne3A_48 = arith.constant 0 : i32
      %ne3A_49 = arith.cmpi ne, %rem3A_47, %ne3A_48 : i32
      %lt3A = arith.constant 0 : i32
      %lt3A_50 = arith.cmpi slt, %rem3A_47, %lt3A : i32
      %lt3A_51 = arith.constant 0 : i32
      %lt3A_52 = arith.cmpi slt, %select_n3A_46, %lt3A_51 : i32
      %ne3A_53 = arith.xori %lt3A_50, %lt3A_52 : i1
      %and3A_54 = arith.andi %ne3A_53, %ne3A_49 : i1
      %add3A_55 = arith.addi %rem3A_47, %select_n3A_46 : i32
      %select_n3A_56 = arith.select %and3A_54, %add3A_55, %rem3A_47 : i32
      %mul3A_57 = arith.constant 16 : i32
      %mul3A_58 = arith.muli %select_n3A_56, %mul3A_57 : i32
      %swap3A = arith.index_cast %select_n3A : i32 to index
      %swap3A_59 = arith.index_cast %mul3A_58 : i32 to index
      %swap3A_60 = tpu.vector_load %arg8[%swap3A, %swap3A_59] {strides = array<i32>} : memref<128x128xf32, #tpu.memory_space<vmem>>, vector<1x16xf32>,
      %swap3A_61 = vector.shape_cast %swap3A_60 : vector<1x16xf32> to vector<16xf32>
      %swap3A_62 = vector.shape_cast %broadcast_in_dim3A_26 : vector<16xf32> to vector<1x16xf32>
      tpu.vector_store %arg8[%swap3A, %swap3A_59], %swap3A_62 {strides = array<i32>} : memref<128x128xf32, #tpu.memory_space<vmem>>, vector<1x16xf32>,
    }
    %scan3A_5 = arith.constant 1024 : i32
    %mul3A_6 = arith.constant 640 : i32
    %mul3A_7 = arith.muli %arg1, %mul3A_6 : i32
    %add3A_8 = arith.constant 0 : i32
    %add3A_9 = arith.addi %mul3A_7, %add3A_8 : i32
    "tpu.region"() ({
      %run_scoped3A = tpu.sem_alloc : memref<!tpu.dma_semaphore, #tpu.memory_space<semaphore_mem>>
      %dma_start3A = arith.constant 0 : i32
      %dma_start3A_25 = tpu.memref_slice %arg9[%add3A_9, %dma_start3A] : memref<10240x128xf32, #tpu.memory_space<vmem_shared>> -> memref<128x128xf32, #tpu.memory_space<vmem_shared>>
      %dma_start3A_26 = arith.constant 0 : i32
      %dma_start3A_27 = tpu.memref_slice %arg9[%add3A_9, %dma_start3A_26] : memref<10240x128xf32, #tpu.memory_space<vmem_shared>> -> memref<128x128xf32, #tpu.memory_space<vmem_shared>>
      tpu.enqueue_dma source(%arg8 : memref<128x128xf32, #tpu.memory_space<vmem>>) target(%dma_start3A_27 : memref<128x128xf32, #tpu.memory_space<vmem_shared>>) target_semaphore(%run_scoped3A : memref<!tpu.dma_semaphore, #tpu.memory_space<semaphore_mem>>)
      %dma_wait3A = arith.constant 0 : i32
      %dma_wait3A_28 = tpu.memref_slice %arg9[%add3A_9, %dma_wait3A] : memref<10240x128xf32, #tpu.memory_space<vmem_shared>> -> memref<128x128xf32, #tpu.memory_space<vmem_shared>>
      %dma_wait3A_29 = arith.constant 0 : i32
      %dma_wait3A_30 = tpu.memref_slice %arg9[%add3A_9, %dma_wait3A_29] : memref<10240x128xf32, #tpu.memory_space<vmem_shared>> -> memref<128x128xf32, #tpu.memory_space<vmem_shared>>
      tpu.wait_dma2 semaphore(%run_scoped3A : memref<!tpu.dma_semaphore, #tpu.memory_space<semaphore_mem>>) src(%arg8 : memref<128x128xf32, #tpu.memory_space<vmem>>) dst(%dma_wait3A_30 : memref<128x128xf32, #tpu.memory_space<vmem_shared>>)
      tpu.yield
    }) : () -> ()
    %add3A_10 = arith.constant 128 : i32
    %add3A_11 = arith.addi %mul3A_7, %add3A_10 : i32
    "tpu.region"() ({
      %run_scoped3A = tpu.sem_alloc : memref<!tpu.dma_semaphore, #tpu.memory_space<semaphore_mem>>
      %dma_start3A = arith.constant 0 : i32
      %dma_start3A_25 = tpu.memref_slice %arg9[%add3A_11, %dma_start3A] : memref<10240x128xf32, #tpu.memory_space<vmem_shared>> -> memref<128x128xf32, #tpu.memory_space<vmem_shared>>
      %dma_start3A_26 = arith.constant 0 : i32
      %dma_start3A_27 = tpu.memref_slice %arg9[%add3A_11, %dma_start3A_26] : memref<10240x128xf32, #tpu.memory_space<vmem_shared>> -> memref<128x128xf32, #tpu.memory_space<vmem_shared>>
      tpu.enqueue_dma source(%arg8 : memref<128x128xf32, #tpu.memory_space<vmem>>) target(%dma_start3A_27 : memref<128x128xf32, #tpu.memory_space<vmem_shared>>) target_semaphore(%run_scoped3A : memref<!tpu.dma_semaphore, #tpu.memory_space<semaphore_mem>>)
      %dma_wait3A = arith.constant 0 : i32
      %dma_wait3A_28 = tpu.memref_slice %arg9[%add3A_11, %dma_wait3A] : memref<10240x128xf32, #tpu.memory_space<vmem_shared>> -> memref<128x128xf32, #tpu.memory_space<vmem_shared>>
      %dma_wait3A_29 = arith.constant 0 : i32
      %dma_wait3A_30 = tpu.memref_slice %arg9[%add3A_11, %dma_wait3A_29] : memref<10240x128xf32, #tpu.memory_space<vmem_shared>> -> memref<128x128xf32, #tpu.memory_space<vmem_shared>>
      tpu.wait_dma2 semaphore(%run_scoped3A : memref<!tpu.dma_semaphore, #tpu.memory_space<semaphore_mem>>) src(%arg8 : memref<128x128xf32, #tpu.memory_space<vmem>>) dst(%dma_wait3A_30 : memref<128x128xf32, #tpu.memory_space<vmem_shared>>)
      tpu.yield
    }) : () -> ()
    %add3A_12 = arith.constant 256 : i32
    %add3A_13 = arith.addi %mul3A_7, %add3A_12 : i32
    "tpu.region"() ({
      %run_scoped3A = tpu.sem_alloc : memref<!tpu.dma_semaphore, #tpu.memory_space<semaphore_mem>>
      %dma_start3A = arith.constant 0 : i32
      %dma_start3A_25 = tpu.memref_slice %arg9[%add3A_13, %dma_start3A] : memref<10240x128xf32, #tpu.memory_space<vmem_shared>> -> memref<128x128xf32, #tpu.memory_space<vmem_shared>>
      %dma_start3A_26 = arith.constant 0 : i32
      %dma_start3A_27 = tpu.memref_slice %arg9[%add3A_13, %dma_start3A_26] : memref<10240x128xf32, #tpu.memory_space<vmem_shared>> -> memref<128x128xf32, #tpu.memory_space<vmem_shared>>
      tpu.enqueue_dma source(%arg8 : memref<128x128xf32, #tpu.memory_space<vmem>>) target(%dma_start3A_27 : memref<128x128xf32, #tpu.memory_space<vmem_shared>>) target_semaphore(%run_scoped3A : memref<!tpu.dma_semaphore, #tpu.memory_space<semaphore_mem>>)
      %dma_wait3A = arith.constant 0 : i32
      %dma_wait3A_28 = tpu.memref_slice %arg9[%add3A_13, %dma_wait3A] : memref<10240x128xf32, #tpu.memory_space<vmem_shared>> -> memref<128x128xf32, #tpu.memory_space<vmem_shared>>
      %dma_wait3A_29 = arith.constant 0 : i32
      %dma_wait3A_30 = tpu.memref_slice %arg9[%add3A_13, %dma_wait3A_29] : memref<10240x128xf32, #tpu.memory_space<vmem_shared>> -> memref<128x128xf32, #tpu.memory_space<vmem_shared>>
      tpu.wait_dma2 semaphore(%run_scoped3A : memref<!tpu.dma_semaphore, #tpu.memory_space<semaphore_mem>>) src(%arg8 : memref<128x128xf32, #tpu.memory_space<vmem>>) dst(%dma_wait3A_30 : memref<128x128xf32, #tpu.memory_space<vmem_shared>>)
      tpu.yield
    }) : () -> ()
    %add3A_14 = arith.constant 384 : i32
    %add3A_15 = arith.addi %mul3A_7, %add3A_14 : i32
    "tpu.region"() ({
      %run_scoped3A = tpu.sem_alloc : memref<!tpu.dma_semaphore, #tpu.memory_space<semaphore_mem>>
      %dma_start3A = arith.constant 0 : i32
      %dma_start3A_25 = tpu.memref_slice %arg9[%add3A_15, %dma_start3A] : memref<10240x128xf32, #tpu.memory_space<vmem_shared>> -> memref<128x128xf32, #tpu.memory_space<vmem_shared>>
      %dma_start3A_26 = arith.constant 0 : i32
      %dma_start3A_27 = tpu.memref_slice %arg9[%add3A_15, %dma_start3A_26] : memref<10240x128xf32, #tpu.memory_space<vmem_shared>> -> memref<128x128xf32, #tpu.memory_space<vmem_shared>>
      tpu.enqueue_dma source(%arg8 : memref<128x128xf32, #tpu.memory_space<vmem>>) target(%dma_start3A_27 : memref<128x128xf32, #tpu.memory_space<vmem_shared>>) target_semaphore(%run_scoped3A : memref<!tpu.dma_semaphore, #tpu.memory_space<semaphore_mem>>)
      %dma_wait3A = arith.constant 0 : i32
      %dma_wait3A_28 = tpu.memref_slice %arg9[%add3A_15, %dma_wait3A] : memref<10240x128xf32, #tpu.memory_space<vmem_shared>> -> memref<128x128xf32, #tpu.memory_space<vmem_shared>>
      %dma_wait3A_29 = arith.constant 0 : i32
      %dma_wait3A_30 = tpu.memref_slice %arg9[%add3A_15, %dma_wait3A_29] : memref<10240x128xf32, #tpu.memory_space<vmem_shared>> -> memref<128x128xf32, #tpu.memory_space<vmem_shared>>
      tpu.wait_dma2 semaphore(%run_scoped3A : memref<!tpu.dma_semaphore, #tpu.memory_space<semaphore_mem>>) src(%arg8 : memref<128x128xf32, #tpu.memory_space<vmem>>) dst(%dma_wait3A_30 : memref<128x128xf32, #tpu.memory_space<vmem_shared>>)
      tpu.yield
    }) : () -> ()
    %add3A_16 = arith.constant 512 : i32
    %add3A_17 = arith.addi %mul3A_7, %add3A_16 : i32
    "tpu.region"() ({
      %run_scoped3A = tpu.sem_alloc : memref<!tpu.dma_semaphore, #tpu.memory_space<semaphore_mem>>
      %dma_start3A = arith.constant 0 : i32
      %dma_start3A_25 = tpu.memref_slice %arg9[%add3A_17, %dma_start3A] : memref<10240x128xf32, #tpu.memory_space<vmem_shared>> -> memref<128x128xf32, #tpu.memory_space<vmem_shared>>
      %dma_start3A_26 = arith.constant 0 : i32
      %dma_start3A_27 = tpu.memref_slice %arg9[%add3A_17, %dma_start3A_26] : memref<10240x128xf32, #tpu.memory_space<vmem_shared>> -> memref<128x128xf32, #tpu.memory_space<vmem_shared>>
      tpu.enqueue_dma source(%arg8 : memref<128x128xf32, #tpu.memory_space<vmem>>) target(%dma_start3A_27 : memref<128x128xf32, #tpu.memory_space<vmem_shared>>) target_semaphore(%run_scoped3A : memref<!tpu.dma_semaphore, #tpu.memory_space<semaphore_mem>>)
      %dma_wait3A = arith.constant 0 : i32
      %dma_wait3A_28 = tpu.memref_slice %arg9[%add3A_17, %dma_wait3A] : memref<10240x128xf32, #tpu.memory_space<vmem_shared>> -> memref<128x128xf32, #tpu.memory_space<vmem_shared>>
      %dma_wait3A_29 = arith.constant 0 : i32
      %dma_wait3A_30 = tpu.memref_slice %arg9[%add3A_17, %dma_wait3A_29] : memref<10240x128xf32, #tpu.memory_space<vmem_shared>> -> memref<128x128xf32, #tpu.memory_space<vmem_shared>>
      tpu.wait_dma2 semaphore(%run_scoped3A : memref<!tpu.dma_semaphore, #tpu.memory_space<semaphore_mem>>) src(%arg8 : memref<128x128xf32, #tpu.memory_space<vmem>>) dst(%dma_wait3A_30 : memref<128x128xf32, #tpu.memory_space<vmem_shared>>)
      tpu.yield
    }) : () -> ()
    "tpu.region"() ({
      %run_scoped3A = tpu.sem_alloc : memref<!tpu.dma_semaphore, #tpu.memory_space<semaphore_mem>>
      %dma_start3A = arith.constant 0 : i32
      %dma_start3A_25 = arith.constant 0 : i32
      %dma_start3A_26 = tpu.memref_slice %arg3[%add3A, %dma_start3A, %dma_start3A_25] : memref<32x79x128xi32, #tpu.memory_space<hbm>> -> memref<1x79x128xi32, #tpu.memory_space<hbm>>
      %dma_start3A_27 = tpu.memref_squeeze %dma_start3A_26 : memref<1x79x128xi32, #tpu.memory_space<hbm>> -> memref<79x128xi32, #tpu.memory_space<hbm>>
      %dma_start3A_28 = arith.constant 0 : i32
      %dma_start3A_29 = arith.constant 0 : i32
      %dma_start3A_30 = tpu.memref_slice %arg3[%add3A, %dma_start3A_28, %dma_start3A_29] : memref<32x79x128xi32, #tpu.memory_space<hbm>> -> memref<1x79x128xi32, #tpu.memory_space<hbm>>
      %dma_start3A_31 = tpu.memref_squeeze %dma_start3A_30 : memref<1x79x128xi32, #tpu.memory_space<hbm>> -> memref<79x128xi32, #tpu.memory_space<hbm>>
      tpu.enqueue_dma source(%dma_start3A_31 : memref<79x128xi32, #tpu.memory_space<hbm>>) target(%arg6 : memref<79x128xi32, #tpu.memory_space<vmem>>) target_semaphore(%run_scoped3A : memref<!tpu.dma_semaphore, #tpu.memory_space<semaphore_mem>>)
      %dma_wait3A = arith.constant 0 : i32
      %dma_wait3A_32 = arith.constant 0 : i32
      %dma_wait3A_33 = tpu.memref_slice %arg3[%add3A, %dma_wait3A, %dma_wait3A_32] : memref<32x79x128xi32, #tpu.memory_space<hbm>> -> memref<1x79x128xi32, #tpu.memory_space<hbm>>
      %dma_wait3A_34 = tpu.memref_squeeze %dma_wait3A_33 : memref<1x79x128xi32, #tpu.memory_space<hbm>> -> memref<79x128xi32, #tpu.memory_space<hbm>>
      %dma_wait3A_35 = arith.constant 0 : i32
      %dma_wait3A_36 = arith.constant 0 : i32
      %dma_wait3A_37 = tpu.memref_slice %arg3[%add3A, %dma_wait3A_35, %dma_wait3A_36] : memref<32x79x128xi32, #tpu.memory_space<hbm>> -> memref<1x79x128xi32, #tpu.memory_space<hbm>>
      %dma_wait3A_38 = tpu.memref_squeeze %dma_wait3A_37 : memref<1x79x128xi32, #tpu.memory_space<hbm>> -> memref<79x128xi32, #tpu.memory_space<hbm>>
      tpu.wait_dma2 semaphore(%run_scoped3A : memref<!tpu.dma_semaphore, #tpu.memory_space<semaphore_mem>>) src(%dma_wait3A_38 : memref<79x128xi32, #tpu.memory_space<hbm>>) dst(%arg6 : memref<79x128xi32, #tpu.memory_space<vmem>>)
      tpu.yield
    }) : () -> ()
    "tpu.region"() ({
      %run_scoped3A = tpu.sem_alloc : memref<!tpu.dma_semaphore, #tpu.memory_space<semaphore_mem>>
      %dma_start3A = arith.constant 0 : i32
      %dma_start3A_25 = arith.constant 0 : i32
      %dma_start3A_26 = tpu.memref_slice %arg4[%add3A, %dma_start3A, %dma_start3A_25] : memref<32x79x128xi32, #tpu.memory_space<hbm>> -> memref<1x79x128xi32, #tpu.memory_space<hbm>>
      %dma_start3A_27 = tpu.memref_squeeze %dma_start3A_26 : memref<1x79x128xi32, #tpu.memory_space<hbm>> -> memref<79x128xi32, #tpu.memory_space<hbm>>
      %dma_start3A_28 = arith.constant 0 : i32
      %dma_start3A_29 = arith.constant 0 : i32
      %dma_start3A_30 = tpu.memref_slice %arg4[%add3A, %dma_start3A_28, %dma_start3A_29] : memref<32x79x128xi32, #tpu.memory_space<hbm>> -> memref<1x79x128xi32, #tpu.memory_space<hbm>>
      %dma_start3A_31 = tpu.memref_squeeze %dma_start3A_30 : memref<1x79x128xi32, #tpu.memory_space<hbm>> -> memref<79x128xi32, #tpu.memory_space<hbm>>
      tpu.enqueue_dma source(%dma_start3A_31 : memref<79x128xi32, #tpu.memory_space<hbm>>) target(%arg7 : memref<79x128xi32, #tpu.memory_space<vmem>>) target_semaphore(%run_scoped3A : memref<!tpu.dma_semaphore, #tpu.memory_space<semaphore_mem>>)
      %dma_wait3A = arith.constant 0 : i32
      %dma_wait3A_32 = arith.constant 0 : i32
      %dma_wait3A_33 = tpu.memref_slice %arg4[%add3A, %dma_wait3A, %dma_wait3A_32] : memref<32x79x128xi32, #tpu.memory_space<hbm>> -> memref<1x79x128xi32, #tpu.memory_space<hbm>>
      %dma_wait3A_34 = tpu.memref_squeeze %dma_wait3A_33 : memref<1x79x128xi32, #tpu.memory_space<hbm>> -> memref<79x128xi32, #tpu.memory_space<hbm>>
      %dma_wait3A_35 = arith.constant 0 : i32
      %dma_wait3A_36 = arith.constant 0 : i32
      %dma_wait3A_37 = tpu.memref_slice %arg4[%add3A, %dma_wait3A_35, %dma_wait3A_36] : memref<32x79x128xi32, #tpu.memory_space<hbm>> -> memref<1x79x128xi32, #tpu.memory_space<hbm>>
      %dma_wait3A_38 = tpu.memref_squeeze %dma_wait3A_37 : memref<1x79x128xi32, #tpu.memory_space<hbm>> -> memref<79x128xi32, #tpu.memory_space<hbm>>
      tpu.wait_dma2 semaphore(%run_scoped3A : memref<!tpu.dma_semaphore, #tpu.memory_space<semaphore_mem>>) src(%dma_wait3A_38 : memref<79x128xi32, #tpu.memory_space<hbm>>) dst(%arg7 : memref<79x128xi32, #tpu.memory_space<vmem>>)
      tpu.yield
    }) : () -> ()
    %barrier3A = arith.constant 0 : index
    tpu.barrier barrier_id(%barrier3A)
    %scan3A_18 = arith.constant 0 : i32
    %scan3A_19 = arith.constant 0 : i32
    %scan3A_20 = arith.constant 79 : i32
    %scan3A_21 = arith.addi %scan3A_19, %scan3A_20 : i32
    %scan3A_22 = arith.constant 1 : i32
    scf.for %scan3A_25 = %scan3A_19 to %scan3A_21 step %scan3A_22  : i32 {
      %dma_start3A = arith.constant 0 : i32
      %dma_start3A_26 = tpu.memref_slice %arg6[%scan3A_25, %dma_start3A] : memref<79x128xi32, #tpu.memory_space<vmem>> -> memref<1x128xi32, #tpu.memory_space<vmem>>
      %dma_start3A_27 = tpu.memref_squeeze %dma_start3A_26 : memref<1x128xi32, #tpu.memory_space<vmem>> -> memref<128xi32, #tpu.memory_space<vmem>>
      %dma_start3A_28 = arith.constant 0 : i32
      %dma_start3A_29 = arith.constant 0 : i32
      %dma_start3A_30 = tpu.memref_slice %arg2[%dma_start3A_28, %dma_start3A_29] : memref<10240x128xf32, #tpu.memory_space<hbm>> -> memref<10240x128xf32, #tpu.memory_space<hbm>>
      tpu.enqueue_indirect_dma source(%dma_start3A_30 : memref<10240x128xf32, #tpu.memory_space<hbm>>) target(%arg8 : memref<128x128xf32, #tpu.memory_space<vmem>>) offsets(%dma_start3A_27 : memref<128xi32, #tpu.memory_space<vmem>>) semaphore(%arg10 : memref<!tpu.dma_semaphore, #tpu.memory_space<semaphore_mem>>)
      %dma_wait3A = arith.constant 0 : i32
      %dma_wait3A_31 = tpu.memref_slice %arg6[%scan3A_25, %dma_wait3A] : memref<79x128xi32, #tpu.memory_space<vmem>> -> memref<1x128xi32, #tpu.memory_space<vmem>>
      %dma_wait3A_32 = tpu.memref_squeeze %dma_wait3A_31 : memref<1x128xi32, #tpu.memory_space<vmem>> -> memref<128xi32, #tpu.memory_space<vmem>>
      %dma_wait3A_33 = arith.constant 0 : i32
      %dma_wait3A_34 = arith.constant 0 : i32
      %dma_wait3A_35 = tpu.memref_slice %arg2[%dma_wait3A_33, %dma_wait3A_34] : memref<10240x128xf32, #tpu.memory_space<hbm>> -> memref<10240x128xf32, #tpu.memory_space<hbm>>
      tpu.wait_indirect_dma semaphore(%arg10 : memref<!tpu.dma_semaphore, #tpu.memory_space<semaphore_mem>>) src(%dma_wait3A_35 : memref<10240x128xf32, #tpu.memory_space<hbm>>) dst(%arg8 : memref<128x128xf32, #tpu.memory_space<vmem>>)
      "tpu.region"() ({
        %run_scoped3A = tpu.sem_alloc : memref<!tpu.dma_semaphore, #tpu.memory_space<semaphore_mem>>
        %dma_start3A_36 = arith.constant 0 : i32
        %dma_start3A_37 = tpu.memref_slice %arg7[%scan3A_25, %dma_start3A_36] : memref<79x128xi32, #tpu.memory_space<vmem>> -> memref<1x128xi32, #tpu.memory_space<vmem>>
        %dma_start3A_38 = tpu.memref_squeeze %dma_start3A_37 : memref<1x128xi32, #tpu.memory_space<vmem>> -> memref<128xi32, #tpu.memory_space<vmem>>
        %dma_start3A_39 = arith.constant 0 : i32
        %dma_start3A_40 = arith.constant 0 : i32
        %dma_start3A_41 = tpu.memref_slice %arg9[%dma_start3A_39, %dma_start3A_40] : memref<10240x128xf32, #tpu.memory_space<vmem_shared>> -> memref<10240x128xf32, #tpu.memory_space<vmem_shared>>
        tpu.enqueue_indirect_dma source(%arg8 : memref<128x128xf32, #tpu.memory_space<vmem>>) target(%dma_start3A_41 : memref<10240x128xf32, #tpu.memory_space<vmem_shared>>) offsets(%dma_start3A_38 : memref<128xi32, #tpu.memory_space<vmem>>) semaphore(%run_scoped3A : memref<!tpu.dma_semaphore, #tpu.memory_space<semaphore_mem>>) {add = true}
        %dma_wait3A_42 = arith.constant 0 : i32
        %dma_wait3A_43 = tpu.memref_slice %arg7[%scan3A_25, %dma_wait3A_42] : memref<79x128xi32, #tpu.memory_space<vmem>> -> memref<1x128xi32, #tpu.memory_space<vmem>>
        %dma_wait3A_44 = tpu.memref_squeeze %dma_wait3A_43 : memref<1x128xi32, #tpu.memory_space<vmem>> -> memref<128xi32, #tpu.memory_space<vmem>>
        %dma_wait3A_45 = arith.constant 0 : i32
        %dma_wait3A_46 = arith.constant 0 : i32
        %dma_wait3A_47 = tpu.memref_slice %arg9[%dma_wait3A_45, %dma_wait3A_46] : memref<10240x128xf32, #tpu.memory_space<vmem_shared>> -> memref<10240x128xf32, #tpu.memory_space<vmem_shared>>
        tpu.wait_indirect_dma semaphore(%run_scoped3A : memref<!tpu.dma_semaphore, #tpu.memory_space<semaphore_mem>>) src(%arg8 : memref<128x128xf32, #tpu.memory_space<vmem>>) dst(%dma_wait3A_47 : memref<10240x128xf32, #tpu.memory_space<vmem_shared>>)
        tpu.yield
      }) : () -> ()
    }
    %scan3A_23 = arith.constant 79 : i32
    %barrier3A_24 = arith.constant 0 : index
    tpu.barrier barrier_id(%barrier3A_24)
    "tpu.region"() ({
      %run_scoped3A = tpu.sem_alloc : memref<!tpu.dma_semaphore, #tpu.memory_space<semaphore_mem>>
      %dma_start3A = arith.constant 0 : i32
      %dma_start3A_25 = tpu.memref_slice %arg5[%arg0, %mul3A_7, %dma_start3A] : memref<2x10240x128xf32, #tpu.memory_space<hbm>> -> memref<1x640x128xf32, #tpu.memory_space<hbm>>
      %dma_start3A_26 = tpu.memref_squeeze %dma_start3A_25 : memref<1x640x128xf32, #tpu.memory_space<hbm>> -> memref<640x128xf32, #tpu.memory_space<hbm>>
      %dma_start3A_27 = arith.constant 0 : i32
      %dma_start3A_28 = tpu.memref_slice %arg9[%mul3A_7, %dma_start3A_27] : memref<10240x128xf32, #tpu.memory_space<vmem_shared>> -> memref<640x128xf32, #tpu.memory_space<vmem_shared>>
      tpu.enqueue_dma source(%dma_start3A_28 : memref<640x128xf32, #tpu.memory_space<vmem_shared>>) target(%dma_start3A_26 : memref<640x128xf32, #tpu.memory_space<hbm>>) target_semaphore(%run_scoped3A : memref<!tpu.dma_semaphore, #tpu.memory_space<semaphore_mem>>)
      %dma_wait3A = arith.constant 0 : i32
      %dma_wait3A_29 = tpu.memref_slice %arg5[%arg0, %mul3A_7, %dma_wait3A] : memref<2x10240x128xf32, #tpu.memory_space<hbm>> -> memref<1x640x128xf32, #tpu.memory_space<hbm>>
      %dma_wait3A_30 = tpu.memref_squeeze %dma_wait3A_29 : memref<1x640x128xf32, #tpu.memory_space<hbm>> -> memref<640x128xf32, #tpu.memory_space<hbm>>
      %dma_wait3A_31 = arith.constant 0 : i32
      %dma_wait3A_32 = tpu.memref_slice %arg9[%mul3A_7, %dma_wait3A_31] : memref<10240x128xf32, #tpu.memory_space<vmem_shared>> -> memref<640x128xf32, #tpu.memory_space<vmem_shared>>
      tpu.wait_dma2 semaphore(%run_scoped3A : memref<!tpu.dma_semaphore, #tpu.memory_space<semaphore_mem>>) src(%dma_wait3A_32 : memref<640x128xf32, #tpu.memory_space<vmem_shared>>) dst(%dma_wait3A_30 : memref<640x128xf32, #tpu.memory_space<hbm>>)
      tpu.yield
    }) : () -> ()
    return
  }
}

#map = affine_map<(d0, d1) -> (0, 0, 0)>
module attributes {stable_mosaic.version = 14 : i64} {
  func.func @body(%arg0: i32, %arg1: i32, %arg2: memref<32x79x128xi32, #tpu.memory_space<hbm>>, %arg3: memref<2x10240x128xf32, #tpu.memory_space<hbm>>, %arg4: memref<79x128xi32, #tpu.memory_space<vmem>>, %arg5: memref<128x128xf32, #tpu.memory_space<vmem>>, %arg6: memref<10240x128xf32, #tpu.memory_space<vmem_shared>>) attributes {dimension_semantics = [#tpu.dimension_semantics<core_parallel>, #tpu.dimension_semantics<subcore_parallel>], iteration_bounds = array<i64: 2, 16>, scalar_prefetch = 0 : i64, scratch_operands = 3 : i64, tpu.core_type = #tpu.core_type<sc_vector_subcore>, window_params = [{transform_indices = #map}, {transform_indices = #map}]} {
    %mul3A = arith.constant 16 : i32
    %mul3A_0 = arith.muli %arg0, %mul3A : i32
    %add3A = arith.addi %mul3A_0, %arg1 : i32
    %scan3A = arith.constant 0 : i32
    %scan3A_1 = arith.constant 0 : i32
    %scan3A_2 = arith.constant 1024 : i32
    %scan3A_3 = arith.addi %scan3A_1, %scan3A_2 : i32
    %scan3A_4 = arith.constant 1 : i32
    scf.for %scan3A_31 = %scan3A_1 to %scan3A_3 step %scan3A_4  : i32 {
      %broadcast_in_dim3A = arith.constant 0.000000e+00 : f32
      %broadcast_in_dim3A_32 = vector.broadcast %broadcast_in_dim3A : f32 to vector<16xf32>
      %jit3A = arith.constant 8 : i32
      %div3A = arith.divsi %scan3A_31, %jit3A : i32
      %sign3A = arith.constant 0 : i32
      %sign3A_33 = arith.cmpi sgt, %scan3A_31, %sign3A : i32
      %sign3A_34 = arith.extui %sign3A_33 : i1 to i32
      %sign3A_35 = arith.constant 0 : i32
      %sign3A_36 = arith.cmpi slt, %scan3A_31, %sign3A_35 : i32
      %sign3A_37 = arith.extui %sign3A_36 : i1 to i32
      %sign3A_38 = arith.subi %sign3A_34, %sign3A_37 : i32
      %sign3A_39 = arith.constant 0 : i32
      %sign3A_40 = arith.cmpi sgt, %jit3A, %sign3A_39 : i32
      %sign3A_41 = arith.extui %sign3A_40 : i1 to i32
      %sign3A_42 = arith.constant 0 : i32
      %sign3A_43 = arith.cmpi slt, %jit3A, %sign3A_42 : i32
      %sign3A_44 = arith.extui %sign3A_43 : i1 to i32
      %sign3A_45 = arith.subi %sign3A_41, %sign3A_44 : i32
      %ne3A = arith.cmpi ne, %sign3A_38, %sign3A_45 : i32
      %rem3A = arith.remsi %scan3A_31, %jit3A : i32
      %ne3A_46 = arith.constant 0 : i32
      %ne3A_47 = arith.cmpi ne, %rem3A, %ne3A_46 : i32
      %and3A = arith.andi %ne3A, %ne3A_47 : i1
      %sub3A = arith.constant 1 : i32
      %sub3A_48 = arith.subi %div3A, %sub3A : i32
      %select_n3A = arith.select %and3A, %sub3A_48, %div3A : i32
      %jit3A_49 = arith.constant 8 : i32
      %eq3A = arith.constant 0 : i32
      %eq3A_50 = arith.cmpi eq, %jit3A_49, %eq3A : i32
      %jit3A_51 = arith.constant 1 : i32
      %select_n3A_52 = arith.select %eq3A_50, %jit3A_51, %jit3A_49 : i32
      %rem3A_53 = arith.remsi %scan3A_31, %select_n3A_52 : i32
      %ne3A_54 = arith.constant 0 : i32
      %ne3A_55 = arith.cmpi ne, %rem3A_53, %ne3A_54 : i32
      %lt3A = arith.constant 0 : i32
      %lt3A_56 = arith.cmpi slt, %rem3A_53, %lt3A : i32
      %lt3A_57 = arith.constant 0 : i32
      %lt3A_58 = arith.cmpi slt, %select_n3A_52, %lt3A_57 : i32
      %ne3A_59 = arith.xori %lt3A_56, %lt3A_58 : i1
      %and3A_60 = arith.andi %ne3A_59, %ne3A_55 : i1
      %add3A_61 = arith.addi %rem3A_53, %select_n3A_52 : i32
      %select_n3A_62 = arith.select %and3A_60, %add3A_61, %rem3A_53 : i32
      %mul3A_63 = arith.constant 16 : i32
      %mul3A_64 = arith.muli %select_n3A_62, %mul3A_63 : i32
      %swap3A = arith.index_cast %select_n3A : i32 to index
      %swap3A_65 = arith.index_cast %mul3A_64 : i32 to index
      %swap3A_66 = tpu.vector_load %arg5[%swap3A, %swap3A_65] {strides = array<i32>} : memref<128x128xf32, #tpu.memory_space<vmem>>, vector<1x16xf32>,
      %swap3A_67 = vector.shape_cast %swap3A_66 : vector<1x16xf32> to vector<16xf32>
      %swap3A_68 = vector.shape_cast %broadcast_in_dim3A_32 : vector<16xf32> to vector<1x16xf32>
      tpu.vector_store %arg5[%swap3A, %swap3A_65], %swap3A_68 {strides = array<i32>} : memref<128x128xf32, #tpu.memory_space<vmem>>, vector<1x16xf32>,
    }
    %scan3A_5 = arith.constant 1024 : i32
    %mul3A_6 = arith.constant 640 : i32
    %mul3A_7 = arith.muli %arg1, %mul3A_6 : i32
    %add3A_8 = arith.constant 0 : i32
    %add3A_9 = arith.addi %mul3A_7, %add3A_8 : i32
    "tpu.region"() ({
      %run_scoped3A = tpu.sem_alloc : memref<!tpu.dma_semaphore, #tpu.memory_space<semaphore_mem>>
      %dma_start3A = arith.constant 0 : i32
      %dma_start3A_31 = tpu.memref_slice %arg6[%add3A_9, %dma_start3A] : memref<10240x128xf32, #tpu.memory_space<vmem_shared>> -> memref<128x128xf32, #tpu.memory_space<vmem_shared>>
      %dma_start3A_32 = arith.constant 0 : i32
      %dma_start3A_33 = tpu.memref_slice %arg6[%add3A_9, %dma_start3A_32] : memref<10240x128xf32, #tpu.memory_space<vmem_shared>> -> memref<128x128xf32, #tpu.memory_space<vmem_shared>>
      tpu.enqueue_dma source(%arg5 : memref<128x128xf32, #tpu.memory_space<vmem>>) target(%dma_start3A_33 : memref<128x128xf32, #tpu.memory_space<vmem_shared>>) target_semaphore(%run_scoped3A : memref<!tpu.dma_semaphore, #tpu.memory_space<semaphore_mem>>)
      %dma_wait3A = arith.constant 0 : i32
      %dma_wait3A_34 = tpu.memref_slice %arg6[%add3A_9, %dma_wait3A] : memref<10240x128xf32, #tpu.memory_space<vmem_shared>> -> memref<128x128xf32, #tpu.memory_space<vmem_shared>>
      %dma_wait3A_35 = arith.constant 0 : i32
      %dma_wait3A_36 = tpu.memref_slice %arg6[%add3A_9, %dma_wait3A_35] : memref<10240x128xf32, #tpu.memory_space<vmem_shared>> -> memref<128x128xf32, #tpu.memory_space<vmem_shared>>
      tpu.wait_dma2 semaphore(%run_scoped3A : memref<!tpu.dma_semaphore, #tpu.memory_space<semaphore_mem>>) src(%arg5 : memref<128x128xf32, #tpu.memory_space<vmem>>) dst(%dma_wait3A_36 : memref<128x128xf32, #tpu.memory_space<vmem_shared>>)
      tpu.yield
    }) : () -> ()
    %add3A_10 = arith.constant 128 : i32
    %add3A_11 = arith.addi %mul3A_7, %add3A_10 : i32
    "tpu.region"() ({
      %run_scoped3A = tpu.sem_alloc : memref<!tpu.dma_semaphore, #tpu.memory_space<semaphore_mem>>
      %dma_start3A = arith.constant 0 : i32
      %dma_start3A_31 = tpu.memref_slice %arg6[%add3A_11, %dma_start3A] : memref<10240x128xf32, #tpu.memory_space<vmem_shared>> -> memref<128x128xf32, #tpu.memory_space<vmem_shared>>
      %dma_start3A_32 = arith.constant 0 : i32
      %dma_start3A_33 = tpu.memref_slice %arg6[%add3A_11, %dma_start3A_32] : memref<10240x128xf32, #tpu.memory_space<vmem_shared>> -> memref<128x128xf32, #tpu.memory_space<vmem_shared>>
      tpu.enqueue_dma source(%arg5 : memref<128x128xf32, #tpu.memory_space<vmem>>) target(%dma_start3A_33 : memref<128x128xf32, #tpu.memory_space<vmem_shared>>) target_semaphore(%run_scoped3A : memref<!tpu.dma_semaphore, #tpu.memory_space<semaphore_mem>>)
      %dma_wait3A = arith.constant 0 : i32
      %dma_wait3A_34 = tpu.memref_slice %arg6[%add3A_11, %dma_wait3A] : memref<10240x128xf32, #tpu.memory_space<vmem_shared>> -> memref<128x128xf32, #tpu.memory_space<vmem_shared>>
      %dma_wait3A_35 = arith.constant 0 : i32
      %dma_wait3A_36 = tpu.memref_slice %arg6[%add3A_11, %dma_wait3A_35] : memref<10240x128xf32, #tpu.memory_space<vmem_shared>> -> memref<128x128xf32, #tpu.memory_space<vmem_shared>>
      tpu.wait_dma2 semaphore(%run_scoped3A : memref<!tpu.dma_semaphore, #tpu.memory_space<semaphore_mem>>) src(%arg5 : memref<128x128xf32, #tpu.memory_space<vmem>>) dst(%dma_wait3A_36 : memref<128x128xf32, #tpu.memory_space<vmem_shared>>)
      tpu.yield
    }) : () -> ()
    %add3A_12 = arith.constant 256 : i32
    %add3A_13 = arith.addi %mul3A_7, %add3A_12 : i32
    "tpu.region"() ({
      %run_scoped3A = tpu.sem_alloc : memref<!tpu.dma_semaphore, #tpu.memory_space<semaphore_mem>>
      %dma_start3A = arith.constant 0 : i32
      %dma_start3A_31 = tpu.memref_slice %arg6[%add3A_13, %dma_start3A] : memref<10240x128xf32, #tpu.memory_space<vmem_shared>> -> memref<128x128xf32, #tpu.memory_space<vmem_shared>>
      %dma_start3A_32 = arith.constant 0 : i32
      %dma_start3A_33 = tpu.memref_slice %arg6[%add3A_13, %dma_start3A_32] : memref<10240x128xf32, #tpu.memory_space<vmem_shared>> -> memref<128x128xf32, #tpu.memory_space<vmem_shared>>
      tpu.enqueue_dma source(%arg5 : memref<128x128xf32, #tpu.memory_space<vmem>>) target(%dma_start3A_33 : memref<128x128xf32, #tpu.memory_space<vmem_shared>>) target_semaphore(%run_scoped3A : memref<!tpu.dma_semaphore, #tpu.memory_space<semaphore_mem>>)
      %dma_wait3A = arith.constant 0 : i32
      %dma_wait3A_34 = tpu.memref_slice %arg6[%add3A_13, %dma_wait3A] : memref<10240x128xf32, #tpu.memory_space<vmem_shared>> -> memref<128x128xf32, #tpu.memory_space<vmem_shared>>
      %dma_wait3A_35 = arith.constant 0 : i32
      %dma_wait3A_36 = tpu.memref_slice %arg6[%add3A_13, %dma_wait3A_35] : memref<10240x128xf32, #tpu.memory_space<vmem_shared>> -> memref<128x128xf32, #tpu.memory_space<vmem_shared>>
      tpu.wait_dma2 semaphore(%run_scoped3A : memref<!tpu.dma_semaphore, #tpu.memory_space<semaphore_mem>>) src(%arg5 : memref<128x128xf32, #tpu.memory_space<vmem>>) dst(%dma_wait3A_36 : memref<128x128xf32, #tpu.memory_space<vmem_shared>>)
      tpu.yield
    }) : () -> ()
    %add3A_14 = arith.constant 384 : i32
    %add3A_15 = arith.addi %mul3A_7, %add3A_14 : i32
    "tpu.region"() ({
      %run_scoped3A = tpu.sem_alloc : memref<!tpu.dma_semaphore, #tpu.memory_space<semaphore_mem>>
      %dma_start3A = arith.constant 0 : i32
      %dma_start3A_31 = tpu.memref_slice %arg6[%add3A_15, %dma_start3A] : memref<10240x128xf32, #tpu.memory_space<vmem_shared>> -> memref<128x128xf32, #tpu.memory_space<vmem_shared>>
      %dma_start3A_32 = arith.constant 0 : i32
      %dma_start3A_33 = tpu.memref_slice %arg6[%add3A_15, %dma_start3A_32] : memref<10240x128xf32, #tpu.memory_space<vmem_shared>> -> memref<128x128xf32, #tpu.memory_space<vmem_shared>>
      tpu.enqueue_dma source(%arg5 : memref<128x128xf32, #tpu.memory_space<vmem>>) target(%dma_start3A_33 : memref<128x128xf32, #tpu.memory_space<vmem_shared>>) target_semaphore(%run_scoped3A : memref<!tpu.dma_semaphore, #tpu.memory_space<semaphore_mem>>)
      %dma_wait3A = arith.constant 0 : i32
      %dma_wait3A_34 = tpu.memref_slice %arg6[%add3A_15, %dma_wait3A] : memref<10240x128xf32, #tpu.memory_space<vmem_shared>> -> memref<128x128xf32, #tpu.memory_space<vmem_shared>>
      %dma_wait3A_35 = arith.constant 0 : i32
      %dma_wait3A_36 = tpu.memref_slice %arg6[%add3A_15, %dma_wait3A_35] : memref<10240x128xf32, #tpu.memory_space<vmem_shared>> -> memref<128x128xf32, #tpu.memory_space<vmem_shared>>
      tpu.wait_dma2 semaphore(%run_scoped3A : memref<!tpu.dma_semaphore, #tpu.memory_space<semaphore_mem>>) src(%arg5 : memref<128x128xf32, #tpu.memory_space<vmem>>) dst(%dma_wait3A_36 : memref<128x128xf32, #tpu.memory_space<vmem_shared>>)
      tpu.yield
    }) : () -> ()
    %add3A_16 = arith.constant 512 : i32
    %add3A_17 = arith.addi %mul3A_7, %add3A_16 : i32
    "tpu.region"() ({
      %run_scoped3A = tpu.sem_alloc : memref<!tpu.dma_semaphore, #tpu.memory_space<semaphore_mem>>
      %dma_start3A = arith.constant 0 : i32
      %dma_start3A_31 = tpu.memref_slice %arg6[%add3A_17, %dma_start3A] : memref<10240x128xf32, #tpu.memory_space<vmem_shared>> -> memref<128x128xf32, #tpu.memory_space<vmem_shared>>
      %dma_start3A_32 = arith.constant 0 : i32
      %dma_start3A_33 = tpu.memref_slice %arg6[%add3A_17, %dma_start3A_32] : memref<10240x128xf32, #tpu.memory_space<vmem_shared>> -> memref<128x128xf32, #tpu.memory_space<vmem_shared>>
      tpu.enqueue_dma source(%arg5 : memref<128x128xf32, #tpu.memory_space<vmem>>) target(%dma_start3A_33 : memref<128x128xf32, #tpu.memory_space<vmem_shared>>) target_semaphore(%run_scoped3A : memref<!tpu.dma_semaphore, #tpu.memory_space<semaphore_mem>>)
      %dma_wait3A = arith.constant 0 : i32
      %dma_wait3A_34 = tpu.memref_slice %arg6[%add3A_17, %dma_wait3A] : memref<10240x128xf32, #tpu.memory_space<vmem_shared>> -> memref<128x128xf32, #tpu.memory_space<vmem_shared>>
      %dma_wait3A_35 = arith.constant 0 : i32
      %dma_wait3A_36 = tpu.memref_slice %arg6[%add3A_17, %dma_wait3A_35] : memref<10240x128xf32, #tpu.memory_space<vmem_shared>> -> memref<128x128xf32, #tpu.memory_space<vmem_shared>>
      tpu.wait_dma2 semaphore(%run_scoped3A : memref<!tpu.dma_semaphore, #tpu.memory_space<semaphore_mem>>) src(%arg5 : memref<128x128xf32, #tpu.memory_space<vmem>>) dst(%dma_wait3A_36 : memref<128x128xf32, #tpu.memory_space<vmem_shared>>)
      tpu.yield
    }) : () -> ()
    %scan3A_18 = arith.constant 0 : i32
    %scan3A_19 = arith.constant 0 : i32
    %scan3A_20 = arith.constant 1024 : i32
    %scan3A_21 = arith.addi %scan3A_19, %scan3A_20 : i32
    %scan3A_22 = arith.constant 1 : i32
    scf.for %scan3A_31 = %scan3A_19 to %scan3A_21 step %scan3A_22  : i32 {
      %broadcast_in_dim3A = arith.constant 1.000000e+00 : f32
      %broadcast_in_dim3A_32 = vector.broadcast %broadcast_in_dim3A : f32 to vector<16xf32>
      %jit3A = arith.constant 8 : i32
      %div3A = arith.divsi %scan3A_31, %jit3A : i32
      %sign3A = arith.constant 0 : i32
      %sign3A_33 = arith.cmpi sgt, %scan3A_31, %sign3A : i32
      %sign3A_34 = arith.extui %sign3A_33 : i1 to i32
      %sign3A_35 = arith.constant 0 : i32
      %sign3A_36 = arith.cmpi slt, %scan3A_31, %sign3A_35 : i32
      %sign3A_37 = arith.extui %sign3A_36 : i1 to i32
      %sign3A_38 = arith.subi %sign3A_34, %sign3A_37 : i32
      %sign3A_39 = arith.constant 0 : i32
      %sign3A_40 = arith.cmpi sgt, %jit3A, %sign3A_39 : i32
      %sign3A_41 = arith.extui %sign3A_40 : i1 to i32
      %sign3A_42 = arith.constant 0 : i32
      %sign3A_43 = arith.cmpi slt, %jit3A, %sign3A_42 : i32
      %sign3A_44 = arith.extui %sign3A_43 : i1 to i32
      %sign3A_45 = arith.subi %sign3A_41, %sign3A_44 : i32
      %ne3A = arith.cmpi ne, %sign3A_38, %sign3A_45 : i32
      %rem3A = arith.remsi %scan3A_31, %jit3A : i32
      %ne3A_46 = arith.constant 0 : i32
      %ne3A_47 = arith.cmpi ne, %rem3A, %ne3A_46 : i32
      %and3A = arith.andi %ne3A, %ne3A_47 : i1
      %sub3A = arith.constant 1 : i32
      %sub3A_48 = arith.subi %div3A, %sub3A : i32
      %select_n3A = arith.select %and3A, %sub3A_48, %div3A : i32
      %jit3A_49 = arith.constant 8 : i32
      %eq3A = arith.constant 0 : i32
      %eq3A_50 = arith.cmpi eq, %jit3A_49, %eq3A : i32
      %jit3A_51 = arith.constant 1 : i32
      %select_n3A_52 = arith.select %eq3A_50, %jit3A_51, %jit3A_49 : i32
      %rem3A_53 = arith.remsi %scan3A_31, %select_n3A_52 : i32
      %ne3A_54 = arith.constant 0 : i32
      %ne3A_55 = arith.cmpi ne, %rem3A_53, %ne3A_54 : i32
      %lt3A = arith.constant 0 : i32
      %lt3A_56 = arith.cmpi slt, %rem3A_53, %lt3A : i32
      %lt3A_57 = arith.constant 0 : i32
      %lt3A_58 = arith.cmpi slt, %select_n3A_52, %lt3A_57 : i32
      %ne3A_59 = arith.xori %lt3A_56, %lt3A_58 : i1
      %and3A_60 = arith.andi %ne3A_59, %ne3A_55 : i1
      %add3A_61 = arith.addi %rem3A_53, %select_n3A_52 : i32
      %select_n3A_62 = arith.select %and3A_60, %add3A_61, %rem3A_53 : i32
      %mul3A_63 = arith.constant 16 : i32
      %mul3A_64 = arith.muli %select_n3A_62, %mul3A_63 : i32
      %swap3A = arith.index_cast %select_n3A : i32 to index
      %swap3A_65 = arith.index_cast %mul3A_64 : i32 to index
      %swap3A_66 = tpu.vector_load %arg5[%swap3A, %swap3A_65] {strides = array<i32>} : memref<128x128xf32, #tpu.memory_space<vmem>>, vector<1x16xf32>,
      %swap3A_67 = vector.shape_cast %swap3A_66 : vector<1x16xf32> to vector<16xf32>
      %swap3A_68 = vector.shape_cast %broadcast_in_dim3A_32 : vector<16xf32> to vector<1x16xf32>
      tpu.vector_store %arg5[%swap3A, %swap3A_65], %swap3A_68 {strides = array<i32>} : memref<128x128xf32, #tpu.memory_space<vmem>>, vector<1x16xf32>,
    }
    %scan3A_23 = arith.constant 1024 : i32
    "tpu.region"() ({
      %run_scoped3A = tpu.sem_alloc : memref<!tpu.dma_semaphore, #tpu.memory_space<semaphore_mem>>
      %dma_start3A = arith.constant 0 : i32
      %dma_start3A_31 = arith.constant 0 : i32
      %dma_start3A_32 = tpu.memref_slice %arg2[%add3A, %dma_start3A, %dma_start3A_31] : memref<32x79x128xi32, #tpu.memory_space<hbm>> -> memref<1x79x128xi32, #tpu.memory_space<hbm>>
      %dma_start3A_33 = tpu.memref_squeeze %dma_start3A_32 : memref<1x79x128xi32, #tpu.memory_space<hbm>> -> memref<79x128xi32, #tpu.memory_space<hbm>>
      %dma_start3A_34 = arith.constant 0 : i32
      %dma_start3A_35 = arith.constant 0 : i32
      %dma_start3A_36 = tpu.memref_slice %arg2[%add3A, %dma_start3A_34, %dma_start3A_35] : memref<32x79x128xi32, #tpu.memory_space<hbm>> -> memref<1x79x128xi32, #tpu.memory_space<hbm>>
      %dma_start3A_37 = tpu.memref_squeeze %dma_start3A_36 : memref<1x79x128xi32, #tpu.memory_space<hbm>> -> memref<79x128xi32, #tpu.memory_space<hbm>>
      tpu.enqueue_dma source(%dma_start3A_37 : memref<79x128xi32, #tpu.memory_space<hbm>>) target(%arg4 : memref<79x128xi32, #tpu.memory_space<vmem>>) target_semaphore(%run_scoped3A : memref<!tpu.dma_semaphore, #tpu.memory_space<semaphore_mem>>)
      %dma_wait3A = arith.constant 0 : i32
      %dma_wait3A_38 = arith.constant 0 : i32
      %dma_wait3A_39 = tpu.memref_slice %arg2[%add3A, %dma_wait3A, %dma_wait3A_38] : memref<32x79x128xi32, #tpu.memory_space<hbm>> -> memref<1x79x128xi32, #tpu.memory_space<hbm>>
      %dma_wait3A_40 = tpu.memref_squeeze %dma_wait3A_39 : memref<1x79x128xi32, #tpu.memory_space<hbm>> -> memref<79x128xi32, #tpu.memory_space<hbm>>
      %dma_wait3A_41 = arith.constant 0 : i32
      %dma_wait3A_42 = arith.constant 0 : i32
      %dma_wait3A_43 = tpu.memref_slice %arg2[%add3A, %dma_wait3A_41, %dma_wait3A_42] : memref<32x79x128xi32, #tpu.memory_space<hbm>> -> memref<1x79x128xi32, #tpu.memory_space<hbm>>
      %dma_wait3A_44 = tpu.memref_squeeze %dma_wait3A_43 : memref<1x79x128xi32, #tpu.memory_space<hbm>> -> memref<79x128xi32, #tpu.memory_space<hbm>>
      tpu.wait_dma2 semaphore(%run_scoped3A : memref<!tpu.dma_semaphore, #tpu.memory_space<semaphore_mem>>) src(%dma_wait3A_44 : memref<79x128xi32, #tpu.memory_space<hbm>>) dst(%arg4 : memref<79x128xi32, #tpu.memory_space<vmem>>)
      tpu.yield
    }) : () -> ()
    %barrier3A = arith.constant 0 : index
    tpu.barrier barrier_id(%barrier3A)
    %scan3A_24 = arith.constant 0 : i32
    %scan3A_25 = arith.constant 0 : i32
    %scan3A_26 = arith.constant 79 : i32
    %scan3A_27 = arith.addi %scan3A_25, %scan3A_26 : i32
    %scan3A_28 = arith.constant 1 : i32
    scf.for %scan3A_31 = %scan3A_25 to %scan3A_27 step %scan3A_28  : i32 {
      "tpu.region"() ({
        %run_scoped3A = tpu.sem_alloc : memref<!tpu.dma_semaphore, #tpu.memory_space<semaphore_mem>>
        %dma_start3A = arith.constant 0 : i32
        %dma_start3A_32 = tpu.memref_slice %arg4[%scan3A_31, %dma_start3A] : memref<79x128xi32, #tpu.memory_space<vmem>> -> memref<1x128xi32, #tpu.memory_space<vmem>>
        %dma_start3A_33 = tpu.memref_squeeze %dma_start3A_32 : memref<1x128xi32, #tpu.memory_space<vmem>> -> memref<128xi32, #tpu.memory_space<vmem>>
        %dma_start3A_34 = arith.constant 0 : i32
        %dma_start3A_35 = arith.constant 0 : i32
        %dma_start3A_36 = tpu.memref_slice %arg6[%dma_start3A_34, %dma_start3A_35] : memref<10240x128xf32, #tpu.memory_space<vmem_shared>> -> memref<10240x128xf32, #tpu.memory_space<vmem_shared>>
        tpu.enqueue_indirect_dma source(%arg5 : memref<128x128xf32, #tpu.memory_space<vmem>>) target(%dma_start3A_36 : memref<10240x128xf32, #tpu.memory_space<vmem_shared>>) offsets(%dma_start3A_33 : memref<128xi32, #tpu.memory_space<vmem>>) semaphore(%run_scoped3A : memref<!tpu.dma_semaphore, #tpu.memory_space<semaphore_mem>>) {add = true}
        %dma_wait3A = arith.constant 0 : i32
        %dma_wait3A_37 = tpu.memref_slice %arg4[%scan3A_31, %dma_wait3A] : memref<79x128xi32, #tpu.memory_space<vmem>> -> memref<1x128xi32, #tpu.memory_space<vmem>>
        %dma_wait3A_38 = tpu.memref_squeeze %dma_wait3A_37 : memref<1x128xi32, #tpu.memory_space<vmem>> -> memref<128xi32, #tpu.memory_space<vmem>>
        %dma_wait3A_39 = arith.constant 0 : i32
        %dma_wait3A_40 = arith.constant 0 : i32
        %dma_wait3A_41 = tpu.memref_slice %arg6[%dma_wait3A_39, %dma_wait3A_40] : memref<10240x128xf32, #tpu.memory_space<vmem_shared>> -> memref<10240x128xf32, #tpu.memory_space<vmem_shared>>
        tpu.wait_indirect_dma semaphore(%run_scoped3A : memref<!tpu.dma_semaphore, #tpu.memory_space<semaphore_mem>>) src(%arg5 : memref<128x128xf32, #tpu.memory_space<vmem>>) dst(%dma_wait3A_41 : memref<10240x128xf32, #tpu.memory_space<vmem_shared>>)
        tpu.yield
      }) : () -> ()
    }
    %scan3A_29 = arith.constant 79 : i32
    %barrier3A_30 = arith.constant 0 : index
    tpu.barrier barrier_id(%barrier3A_30)
    "tpu.region"() ({
      %run_scoped3A = tpu.sem_alloc : memref<!tpu.dma_semaphore, #tpu.memory_space<semaphore_mem>>
      %dma_start3A = arith.constant 0 : i32
      %dma_start3A_31 = tpu.memref_slice %arg3[%arg0, %mul3A_7, %dma_start3A] : memref<2x10240x128xf32, #tpu.memory_space<hbm>> -> memref<1x640x128xf32, #tpu.memory_space<hbm>>
      %dma_start3A_32 = tpu.memref_squeeze %dma_start3A_31 : memref<1x640x128xf32, #tpu.memory_space<hbm>> -> memref<640x128xf32, #tpu.memory_space<hbm>>
      %dma_start3A_33 = arith.constant 0 : i32
      %dma_start3A_34 = tpu.memref_slice %arg6[%mul3A_7, %dma_start3A_33] : memref<10240x128xf32, #tpu.memory_space<vmem_shared>> -> memref<640x128xf32, #tpu.memory_space<vmem_shared>>
      tpu.enqueue_dma source(%dma_start3A_34 : memref<640x128xf32, #tpu.memory_space<vmem_shared>>) target(%dma_start3A_32 : memref<640x128xf32, #tpu.memory_space<hbm>>) target_semaphore(%run_scoped3A : memref<!tpu.dma_semaphore, #tpu.memory_space<semaphore_mem>>)
      %dma_wait3A = arith.constant 0 : i32
      %dma_wait3A_35 = tpu.memref_slice %arg3[%arg0, %mul3A_7, %dma_wait3A] : memref<2x10240x128xf32, #tpu.memory_space<hbm>> -> memref<1x640x128xf32, #tpu.memory_space<hbm>>
      %dma_wait3A_36 = tpu.memref_squeeze %dma_wait3A_35 : memref<1x640x128xf32, #tpu.memory_space<hbm>> -> memref<640x128xf32, #tpu.memory_space<hbm>>
      %dma_wait3A_37 = arith.constant 0 : i32
      %dma_wait3A_38 = tpu.memref_slice %arg6[%mul3A_7, %dma_wait3A_37] : memref<10240x128xf32, #tpu.memory_space<vmem_shared>> -> memref<640x128xf32, #tpu.memory_space<vmem_shared>>
      tpu.wait_dma2 semaphore(%run_scoped3A : memref<!tpu.dma_semaphore, #tpu.memory_space<semaphore_mem>>) src(%dma_wait3A_38 : memref<640x128xf32, #tpu.memory_space<vmem_shared>>) dst(%dma_wait3A_36 : memref<640x128xf32, #tpu.memory_space<hbm>>)
      tpu.yield
    }) : () -> ()
    return
  }
}

#map = affine_map<(d0, d1) -> (0, 0)>
#map1 = affine_map<(d0, d1) -> (0, 0, 0)>
module attributes {stable_mosaic.version = 14 : i64} {
  func.func @body(%arg0: i32, %arg1: i32, %arg2: memref<10240x128xf32, #tpu.memory_space<hbm>>, %arg3: memref<32x79x128xi32, #tpu.memory_space<hbm>>, %arg4: memref<32x79x128xi32, #tpu.memory_space<hbm>>, %arg5: memref<2x10240x128xf32, #tpu.memory_space<hbm>>, %arg6: memref<79x128xi32, #tpu.memory_space<vmem>>, %arg7: memref<79x128xi32, #tpu.memory_space<vmem>>, %arg8: memref<128x128xf32, #tpu.memory_space<vmem>>, %arg9: memref<10240x128xf32, #tpu.memory_space<vmem_shared>>, %arg10: memref<!tpu.dma_semaphore, #tpu.memory_space<semaphore_mem>>) attributes {dimension_semantics = [#tpu.dimension_semantics<core_parallel>, #tpu.dimension_semantics<subcore_parallel>], iteration_bounds = array<i64: 2, 16>, scalar_prefetch = 0 : i64, scratch_operands = 5 : i64, tpu.core_type = #tpu.core_type<sc_vector_subcore>, window_params = [{transform_indices = #map}, {transform_indices = #map1}, {transform_indices = #map1}, {transform_indices = #map1}]} {
    %mul3A = arith.constant 16 : i32
    %mul3A_0 = arith.muli %arg0, %mul3A : i32
    %add3A = arith.addi %mul3A_0, %arg1 : i32
    %scan3A = arith.constant 0 : i32
    %scan3A_1 = arith.constant 0 : i32
    %scan3A_2 = arith.constant 1024 : i32
    %scan3A_3 = arith.addi %scan3A_1, %scan3A_2 : i32
    %scan3A_4 = arith.constant 1 : i32
    scf.for %scan3A_25 = %scan3A_1 to %scan3A_3 step %scan3A_4  : i32 {
      %broadcast_in_dim3A = arith.constant 0.000000e+00 : f32
      %broadcast_in_dim3A_26 = vector.broadcast %broadcast_in_dim3A : f32 to vector<16xf32>
      %jit3A = arith.constant 8 : i32
      %div3A = arith.divsi %scan3A_25, %jit3A : i32
      %sign3A = arith.constant 0 : i32
      %sign3A_27 = arith.cmpi sgt, %scan3A_25, %sign3A : i32
      %sign3A_28 = arith.extui %sign3A_27 : i1 to i32
      %sign3A_29 = arith.constant 0 : i32
      %sign3A_30 = arith.cmpi slt, %scan3A_25, %sign3A_29 : i32
      %sign3A_31 = arith.extui %sign3A_30 : i1 to i32
      %sign3A_32 = arith.subi %sign3A_28, %sign3A_31 : i32
      %sign3A_33 = arith.constant 0 : i32
      %sign3A_34 = arith.cmpi sgt, %jit3A, %sign3A_33 : i32
      %sign3A_35 = arith.extui %sign3A_34 : i1 to i32
      %sign3A_36 = arith.constant 0 : i32
      %sign3A_37 = arith.cmpi slt, %jit3A, %sign3A_36 : i32
      %sign3A_38 = arith.extui %sign3A_37 : i1 to i32
      %sign3A_39 = arith.subi %sign3A_35, %sign3A_38 : i32
      %ne3A = arith.cmpi ne, %sign3A_32, %sign3A_39 : i32
      %rem3A = arith.remsi %scan3A_25, %jit3A : i32
      %ne3A_40 = arith.constant 0 : i32
      %ne3A_41 = arith.cmpi ne, %rem3A, %ne3A_40 : i32
      %and3A = arith.andi %ne3A, %ne3A_41 : i1
      %sub3A = arith.constant 1 : i32
      %sub3A_42 = arith.subi %div3A, %sub3A : i32
      %select_n3A = arith.select %and3A, %sub3A_42, %div3A : i32
      %jit3A_43 = arith.constant 8 : i32
      %eq3A = arith.constant 0 : i32
      %eq3A_44 = arith.cmpi eq, %jit3A_43, %eq3A : i32
      %jit3A_45 = arith.constant 1 : i32
      %select_n3A_46 = arith.select %eq3A_44, %jit3A_45, %jit3A_43 : i32
      %rem3A_47 = arith.remsi %scan3A_25, %select_n3A_46 : i32
      %ne3A_48 = arith.constant 0 : i32
      %ne3A_49 = arith.cmpi ne, %rem3A_47, %ne3A_48 : i32
      %lt3A = arith.constant 0 : i32
      %lt3A_50 = arith.cmpi slt, %rem3A_47, %lt3A : i32
      %lt3A_51 = arith.constant 0 : i32
      %lt3A_52 = arith.cmpi slt, %select_n3A_46, %lt3A_51 : i32
      %ne3A_53 = arith.xori %lt3A_50, %lt3A_52 : i1
      %and3A_54 = arith.andi %ne3A_53, %ne3A_49 : i1
      %add3A_55 = arith.addi %rem3A_47, %select_n3A_46 : i32
      %select_n3A_56 = arith.select %and3A_54, %add3A_55, %rem3A_47 : i32
      %mul3A_57 = arith.constant 16 : i32
      %mul3A_58 = arith.muli %select_n3A_56, %mul3A_57 : i32
      %swap3A = arith.index_cast %select_n3A : i32 to index
      %swap3A_59 = arith.index_cast %mul3A_58 : i32 to index
      %swap3A_60 = tpu.vector_load %arg8[%swap3A, %swap3A_59] {strides = array<i32>} : memref<128x128xf32, #tpu.memory_space<vmem>>, vector<1x16xf32>,
      %swap3A_61 = vector.shape_cast %swap3A_60 : vector<1x16xf32> to vector<16xf32>
      %swap3A_62 = vector.shape_cast %broadcast_in_dim3A_26 : vector<16xf32> to vector<1x16xf32>
      tpu.vector_store %arg8[%swap3A, %swap3A_59], %swap3A_62 {strides = array<i32>} : memref<128x128xf32, #tpu.memory_space<vmem>>, vector<1x16xf32>,
    }
    %scan3A_5 = arith.constant 1024 : i32
    %mul3A_6 = arith.constant 640 : i32
    %mul3A_7 = arith.muli %arg1, %mul3A_6 : i32
    %add3A_8 = arith.constant 0 : i32
    %add3A_9 = arith.addi %mul3A_7, %add3A_8 : i32
    "tpu.region"() ({
      %run_scoped3A = tpu.sem_alloc : memref<!tpu.dma_semaphore, #tpu.memory_space<semaphore_mem>>
      %dma_start3A = arith.constant 0 : i32
      %dma_start3A_25 = tpu.memref_slice %arg9[%add3A_9, %dma_start3A] : memref<10240x128xf32, #tpu.memory_space<vmem_shared>> -> memref<128x128xf32, #tpu.memory_space<vmem_shared>>
      %dma_start3A_26 = arith.constant 0 : i32
      %dma_start3A_27 = tpu.memref_slice %arg9[%add3A_9, %dma_start3A_26] : memref<10240x128xf32, #tpu.memory_space<vmem_shared>> -> memref<128x128xf32, #tpu.memory_space<vmem_shared>>
      tpu.enqueue_dma source(%arg8 : memref<128x128xf32, #tpu.memory_space<vmem>>) target(%dma_start3A_27 : memref<128x128xf32, #tpu.memory_space<vmem_shared>>) target_semaphore(%run_scoped3A : memref<!tpu.dma_semaphore, #tpu.memory_space<semaphore_mem>>)
      %dma_wait3A = arith.constant 0 : i32
      %dma_wait3A_28 = tpu.memref_slice %arg9[%add3A_9, %dma_wait3A] : memref<10240x128xf32, #tpu.memory_space<vmem_shared>> -> memref<128x128xf32, #tpu.memory_space<vmem_shared>>
      %dma_wait3A_29 = arith.constant 0 : i32
      %dma_wait3A_30 = tpu.memref_slice %arg9[%add3A_9, %dma_wait3A_29] : memref<10240x128xf32, #tpu.memory_space<vmem_shared>> -> memref<128x128xf32, #tpu.memory_space<vmem_shared>>
      tpu.wait_dma2 semaphore(%run_scoped3A : memref<!tpu.dma_semaphore, #tpu.memory_space<semaphore_mem>>) src(%arg8 : memref<128x128xf32, #tpu.memory_space<vmem>>) dst(%dma_wait3A_30 : memref<128x128xf32, #tpu.memory_space<vmem_shared>>)
      tpu.yield
    }) : () -> ()
    %add3A_10 = arith.constant 128 : i32
    %add3A_11 = arith.addi %mul3A_7, %add3A_10 : i32
    "tpu.region"() ({
      %run_scoped3A = tpu.sem_alloc : memref<!tpu.dma_semaphore, #tpu.memory_space<semaphore_mem>>
      %dma_start3A = arith.constant 0 : i32
      %dma_start3A_25 = tpu.memref_slice %arg9[%add3A_11, %dma_start3A] : memref<10240x128xf32, #tpu.memory_space<vmem_shared>> -> memref<128x128xf32, #tpu.memory_space<vmem_shared>>
      %dma_start3A_26 = arith.constant 0 : i32
      %dma_start3A_27 = tpu.memref_slice %arg9[%add3A_11, %dma_start3A_26] : memref<10240x128xf32, #tpu.memory_space<vmem_shared>> -> memref<128x128xf32, #tpu.memory_space<vmem_shared>>
      tpu.enqueue_dma source(%arg8 : memref<128x128xf32, #tpu.memory_space<vmem>>) target(%dma_start3A_27 : memref<128x128xf32, #tpu.memory_space<vmem_shared>>) target_semaphore(%run_scoped3A : memref<!tpu.dma_semaphore, #tpu.memory_space<semaphore_mem>>)
      %dma_wait3A = arith.constant 0 : i32
      %dma_wait3A_28 = tpu.memref_slice %arg9[%add3A_11, %dma_wait3A] : memref<10240x128xf32, #tpu.memory_space<vmem_shared>> -> memref<128x128xf32, #tpu.memory_space<vmem_shared>>
      %dma_wait3A_29 = arith.constant 0 : i32
      %dma_wait3A_30 = tpu.memref_slice %arg9[%add3A_11, %dma_wait3A_29] : memref<10240x128xf32, #tpu.memory_space<vmem_shared>> -> memref<128x128xf32, #tpu.memory_space<vmem_shared>>
      tpu.wait_dma2 semaphore(%run_scoped3A : memref<!tpu.dma_semaphore, #tpu.memory_space<semaphore_mem>>) src(%arg8 : memref<128x128xf32, #tpu.memory_space<vmem>>) dst(%dma_wait3A_30 : memref<128x128xf32, #tpu.memory_space<vmem_shared>>)
      tpu.yield
    }) : () -> ()
    %add3A_12 = arith.constant 256 : i32
    %add3A_13 = arith.addi %mul3A_7, %add3A_12 : i32
    "tpu.region"() ({
      %run_scoped3A = tpu.sem_alloc : memref<!tpu.dma_semaphore, #tpu.memory_space<semaphore_mem>>
      %dma_start3A = arith.constant 0 : i32
      %dma_start3A_25 = tpu.memref_slice %arg9[%add3A_13, %dma_start3A] : memref<10240x128xf32, #tpu.memory_space<vmem_shared>> -> memref<128x128xf32, #tpu.memory_space<vmem_shared>>
      %dma_start3A_26 = arith.constant 0 : i32
      %dma_start3A_27 = tpu.memref_slice %arg9[%add3A_13, %dma_start3A_26] : memref<10240x128xf32, #tpu.memory_space<vmem_shared>> -> memref<128x128xf32, #tpu.memory_space<vmem_shared>>
      tpu.enqueue_dma source(%arg8 : memref<128x128xf32, #tpu.memory_space<vmem>>) target(%dma_start3A_27 : memref<128x128xf32, #tpu.memory_space<vmem_shared>>) target_semaphore(%run_scoped3A : memref<!tpu.dma_semaphore, #tpu.memory_space<semaphore_mem>>)
      %dma_wait3A = arith.constant 0 : i32
      %dma_wait3A_28 = tpu.memref_slice %arg9[%add3A_13, %dma_wait3A] : memref<10240x128xf32, #tpu.memory_space<vmem_shared>> -> memref<128x128xf32, #tpu.memory_space<vmem_shared>>
      %dma_wait3A_29 = arith.constant 0 : i32
      %dma_wait3A_30 = tpu.memref_slice %arg9[%add3A_13, %dma_wait3A_29] : memref<10240x128xf32, #tpu.memory_space<vmem_shared>> -> memref<128x128xf32, #tpu.memory_space<vmem_shared>>
      tpu.wait_dma2 semaphore(%run_scoped3A : memref<!tpu.dma_semaphore, #tpu.memory_space<semaphore_mem>>) src(%arg8 : memref<128x128xf32, #tpu.memory_space<vmem>>) dst(%dma_wait3A_30 : memref<128x128xf32, #tpu.memory_space<vmem_shared>>)
      tpu.yield
    }) : () -> ()
    %add3A_14 = arith.constant 384 : i32
    %add3A_15 = arith.addi %mul3A_7, %add3A_14 : i32
    "tpu.region"() ({
      %run_scoped3A = tpu.sem_alloc : memref<!tpu.dma_semaphore, #tpu.memory_space<semaphore_mem>>
      %dma_start3A = arith.constant 0 : i32
      %dma_start3A_25 = tpu.memref_slice %arg9[%add3A_15, %dma_start3A] : memref<10240x128xf32, #tpu.memory_space<vmem_shared>> -> memref<128x128xf32, #tpu.memory_space<vmem_shared>>
      %dma_start3A_26 = arith.constant 0 : i32
      %dma_start3A_27 = tpu.memref_slice %arg9[%add3A_15, %dma_start3A_26] : memref<10240x128xf32, #tpu.memory_space<vmem_shared>> -> memref<128x128xf32, #tpu.memory_space<vmem_shared>>
      tpu.enqueue_dma source(%arg8 : memref<128x128xf32, #tpu.memory_space<vmem>>) target(%dma_start3A_27 : memref<128x128xf32, #tpu.memory_space<vmem_shared>>) target_semaphore(%run_scoped3A : memref<!tpu.dma_semaphore, #tpu.memory_space<semaphore_mem>>)
      %dma_wait3A = arith.constant 0 : i32
      %dma_wait3A_28 = tpu.memref_slice %arg9[%add3A_15, %dma_wait3A] : memref<10240x128xf32, #tpu.memory_space<vmem_shared>> -> memref<128x128xf32, #tpu.memory_space<vmem_shared>>
      %dma_wait3A_29 = arith.constant 0 : i32
      %dma_wait3A_30 = tpu.memref_slice %arg9[%add3A_15, %dma_wait3A_29] : memref<10240x128xf32, #tpu.memory_space<vmem_shared>> -> memref<128x128xf32, #tpu.memory_space<vmem_shared>>
      tpu.wait_dma2 semaphore(%run_scoped3A : memref<!tpu.dma_semaphore, #tpu.memory_space<semaphore_mem>>) src(%arg8 : memref<128x128xf32, #tpu.memory_space<vmem>>) dst(%dma_wait3A_30 : memref<128x128xf32, #tpu.memory_space<vmem_shared>>)
      tpu.yield
    }) : () -> ()
    %add3A_16 = arith.constant 512 : i32
    %add3A_17 = arith.addi %mul3A_7, %add3A_16 : i32
    "tpu.region"() ({
      %run_scoped3A = tpu.sem_alloc : memref<!tpu.dma_semaphore, #tpu.memory_space<semaphore_mem>>
      %dma_start3A = arith.constant 0 : i32
      %dma_start3A_25 = tpu.memref_slice %arg9[%add3A_17, %dma_start3A] : memref<10240x128xf32, #tpu.memory_space<vmem_shared>> -> memref<128x128xf32, #tpu.memory_space<vmem_shared>>
      %dma_start3A_26 = arith.constant 0 : i32
      %dma_start3A_27 = tpu.memref_slice %arg9[%add3A_17, %dma_start3A_26] : memref<10240x128xf32, #tpu.memory_space<vmem_shared>> -> memref<128x128xf32, #tpu.memory_space<vmem_shared>>
      tpu.enqueue_dma source(%arg8 : memref<128x128xf32, #tpu.memory_space<vmem>>) target(%dma_start3A_27 : memref<128x128xf32, #tpu.memory_space<vmem_shared>>) target_semaphore(%run_scoped3A : memref<!tpu.dma_semaphore, #tpu.memory_space<semaphore_mem>>)
      %dma_wait3A = arith.constant 0 : i32
      %dma_wait3A_28 = tpu.memref_slice %arg9[%add3A_17, %dma_wait3A] : memref<10240x128xf32, #tpu.memory_space<vmem_shared>> -> memref<128x128xf32, #tpu.memory_space<vmem_shared>>
      %dma_wait3A_29 = arith.constant 0 : i32
      %dma_wait3A_30 = tpu.memref_slice %arg9[%add3A_17, %dma_wait3A_29] : memref<10240x128xf32, #tpu.memory_space<vmem_shared>> -> memref<128x128xf32, #tpu.memory_space<vmem_shared>>
      tpu.wait_dma2 semaphore(%run_scoped3A : memref<!tpu.dma_semaphore, #tpu.memory_space<semaphore_mem>>) src(%arg8 : memref<128x128xf32, #tpu.memory_space<vmem>>) dst(%dma_wait3A_30 : memref<128x128xf32, #tpu.memory_space<vmem_shared>>)
      tpu.yield
    }) : () -> ()
    "tpu.region"() ({
      %run_scoped3A = tpu.sem_alloc : memref<!tpu.dma_semaphore, #tpu.memory_space<semaphore_mem>>
      %dma_start3A = arith.constant 0 : i32
      %dma_start3A_25 = arith.constant 0 : i32
      %dma_start3A_26 = tpu.memref_slice %arg3[%add3A, %dma_start3A, %dma_start3A_25] : memref<32x79x128xi32, #tpu.memory_space<hbm>> -> memref<1x79x128xi32, #tpu.memory_space<hbm>>
      %dma_start3A_27 = tpu.memref_squeeze %dma_start3A_26 : memref<1x79x128xi32, #tpu.memory_space<hbm>> -> memref<79x128xi32, #tpu.memory_space<hbm>>
      %dma_start3A_28 = arith.constant 0 : i32
      %dma_start3A_29 = arith.constant 0 : i32
      %dma_start3A_30 = tpu.memref_slice %arg3[%add3A, %dma_start3A_28, %dma_start3A_29] : memref<32x79x128xi32, #tpu.memory_space<hbm>> -> memref<1x79x128xi32, #tpu.memory_space<hbm>>
      %dma_start3A_31 = tpu.memref_squeeze %dma_start3A_30 : memref<1x79x128xi32, #tpu.memory_space<hbm>> -> memref<79x128xi32, #tpu.memory_space<hbm>>
      tpu.enqueue_dma source(%dma_start3A_31 : memref<79x128xi32, #tpu.memory_space<hbm>>) target(%arg6 : memref<79x128xi32, #tpu.memory_space<vmem>>) target_semaphore(%run_scoped3A : memref<!tpu.dma_semaphore, #tpu.memory_space<semaphore_mem>>)
      %dma_wait3A = arith.constant 0 : i32
      %dma_wait3A_32 = arith.constant 0 : i32
      %dma_wait3A_33 = tpu.memref_slice %arg3[%add3A, %dma_wait3A, %dma_wait3A_32] : memref<32x79x128xi32, #tpu.memory_space<hbm>> -> memref<1x79x128xi32, #tpu.memory_space<hbm>>
      %dma_wait3A_34 = tpu.memref_squeeze %dma_wait3A_33 : memref<1x79x128xi32, #tpu.memory_space<hbm>> -> memref<79x128xi32, #tpu.memory_space<hbm>>
      %dma_wait3A_35 = arith.constant 0 : i32
      %dma_wait3A_36 = arith.constant 0 : i32
      %dma_wait3A_37 = tpu.memref_slice %arg3[%add3A, %dma_wait3A_35, %dma_wait3A_36] : memref<32x79x128xi32, #tpu.memory_space<hbm>> -> memref<1x79x128xi32, #tpu.memory_space<hbm>>
      %dma_wait3A_38 = tpu.memref_squeeze %dma_wait3A_37 : memref<1x79x128xi32, #tpu.memory_space<hbm>> -> memref<79x128xi32, #tpu.memory_space<hbm>>
      tpu.wait_dma2 semaphore(%run_scoped3A : memref<!tpu.dma_semaphore, #tpu.memory_space<semaphore_mem>>) src(%dma_wait3A_38 : memref<79x128xi32, #tpu.memory_space<hbm>>) dst(%arg6 : memref<79x128xi32, #tpu.memory_space<vmem>>)
      tpu.yield
    }) : () -> ()
    "tpu.region"() ({
      %run_scoped3A = tpu.sem_alloc : memref<!tpu.dma_semaphore, #tpu.memory_space<semaphore_mem>>
      %dma_start3A = arith.constant 0 : i32
      %dma_start3A_25 = arith.constant 0 : i32
      %dma_start3A_26 = tpu.memref_slice %arg4[%add3A, %dma_start3A, %dma_start3A_25] : memref<32x79x128xi32, #tpu.memory_space<hbm>> -> memref<1x79x128xi32, #tpu.memory_space<hbm>>
      %dma_start3A_27 = tpu.memref_squeeze %dma_start3A_26 : memref<1x79x128xi32, #tpu.memory_space<hbm>> -> memref<79x128xi32, #tpu.memory_space<hbm>>
      %dma_start3A_28 = arith.constant 0 : i32
      %dma_start3A_29 = arith.constant 0 : i32
      %dma_start3A_30 = tpu.memref_slice %arg4[%add3A, %dma_start3A_28, %dma_start3A_29] : memref<32x79x128xi32, #tpu.memory_space<hbm>> -> memref<1x79x128xi32, #tpu.memory_space<hbm>>
      %dma_start3A_31 = tpu.memref_squeeze %dma_start3A_30 : memref<1x79x128xi32, #tpu.memory_space<hbm>> -> memref<79x128xi32, #tpu.memory_space<hbm>>
      tpu.enqueue_dma source(%dma_start3A_31 : memref<79x128xi32, #tpu.memory_space<hbm>>) target(%arg7 : memref<79x128xi32, #tpu.memory_space<vmem>>) target_semaphore(%run_scoped3A : memref<!tpu.dma_semaphore, #tpu.memory_space<semaphore_mem>>)
      %dma_wait3A = arith.constant 0 : i32
      %dma_wait3A_32 = arith.constant 0 : i32
      %dma_wait3A_33 = tpu.memref_slice %arg4[%add3A, %dma_wait3A, %dma_wait3A_32] : memref<32x79x128xi32, #tpu.memory_space<hbm>> -> memref<1x79x128xi32, #tpu.memory_space<hbm>>
      %dma_wait3A_34 = tpu.memref_squeeze %dma_wait3A_33 : memref<1x79x128xi32, #tpu.memory_space<hbm>> -> memref<79x128xi32, #tpu.memory_space<hbm>>
      %dma_wait3A_35 = arith.constant 0 : i32
      %dma_wait3A_36 = arith.constant 0 : i32
      %dma_wait3A_37 = tpu.memref_slice %arg4[%add3A, %dma_wait3A_35, %dma_wait3A_36] : memref<32x79x128xi32, #tpu.memory_space<hbm>> -> memref<1x79x128xi32, #tpu.memory_space<hbm>>
      %dma_wait3A_38 = tpu.memref_squeeze %dma_wait3A_37 : memref<1x79x128xi32, #tpu.memory_space<hbm>> -> memref<79x128xi32, #tpu.memory_space<hbm>>
      tpu.wait_dma2 semaphore(%run_scoped3A : memref<!tpu.dma_semaphore, #tpu.memory_space<semaphore_mem>>) src(%dma_wait3A_38 : memref<79x128xi32, #tpu.memory_space<hbm>>) dst(%arg7 : memref<79x128xi32, #tpu.memory_space<vmem>>)
      tpu.yield
    }) : () -> ()
    %barrier3A = arith.constant 0 : index
    tpu.barrier barrier_id(%barrier3A)
    %scan3A_18 = arith.constant 0 : i32
    %scan3A_19 = arith.constant 0 : i32
    %scan3A_20 = arith.constant 79 : i32
    %scan3A_21 = arith.addi %scan3A_19, %scan3A_20 : i32
    %scan3A_22 = arith.constant 1 : i32
    scf.for %scan3A_25 = %scan3A_19 to %scan3A_21 step %scan3A_22  : i32 {
      %dma_start3A = arith.constant 0 : i32
      %dma_start3A_26 = tpu.memref_slice %arg6[%scan3A_25, %dma_start3A] : memref<79x128xi32, #tpu.memory_space<vmem>> -> memref<1x128xi32, #tpu.memory_space<vmem>>
      %dma_start3A_27 = tpu.memref_squeeze %dma_start3A_26 : memref<1x128xi32, #tpu.memory_space<vmem>> -> memref<128xi32, #tpu.memory_space<vmem>>
      %dma_start3A_28 = arith.constant 0 : i32
      %dma_start3A_29 = arith.constant 0 : i32
      %dma_start3A_30 = tpu.memref_slice %arg2[%dma_start3A_28, %dma_start3A_29] : memref<10240x128xf32, #tpu.memory_space<hbm>> -> memref<10240x128xf32, #tpu.memory_space<hbm>>
      tpu.enqueue_indirect_dma source(%dma_start3A_30 : memref<10240x128xf32, #tpu.memory_space<hbm>>) target(%arg8 : memref<128x128xf32, #tpu.memory_space<vmem>>) offsets(%dma_start3A_27 : memref<128xi32, #tpu.memory_space<vmem>>) semaphore(%arg10 : memref<!tpu.dma_semaphore, #tpu.memory_space<semaphore_mem>>)
      %dma_wait3A = arith.constant 0 : i32
      %dma_wait3A_31 = tpu.memref_slice %arg6[%scan3A_25, %dma_wait3A] : memref<79x128xi32, #tpu.memory_space<vmem>> -> memref<1x128xi32, #tpu.memory_space<vmem>>
      %dma_wait3A_32 = tpu.memref_squeeze %dma_wait3A_31 : memref<1x128xi32, #tpu.memory_space<vmem>> -> memref<128xi32, #tpu.memory_space<vmem>>
      %dma_wait3A_33 = arith.constant 0 : i32
      %dma_wait3A_34 = arith.constant 0 : i32
      %dma_wait3A_35 = tpu.memref_slice %arg2[%dma_wait3A_33, %dma_wait3A_34] : memref<10240x128xf32, #tpu.memory_space<hbm>> -> memref<10240x128xf32, #tpu.memory_space<hbm>>
      tpu.wait_indirect_dma semaphore(%arg10 : memref<!tpu.dma_semaphore, #tpu.memory_space<semaphore_mem>>) src(%dma_wait3A_35 : memref<10240x128xf32, #tpu.memory_space<hbm>>) dst(%arg8 : memref<128x128xf32, #tpu.memory_space<vmem>>)
      "tpu.region"() ({
        %run_scoped3A = tpu.sem_alloc : memref<!tpu.dma_semaphore, #tpu.memory_space<semaphore_mem>>
        %dma_start3A_36 = arith.constant 0 : i32
        %dma_start3A_37 = tpu.memref_slice %arg7[%scan3A_25, %dma_start3A_36] : memref<79x128xi32, #tpu.memory_space<vmem>> -> memref<1x128xi32, #tpu.memory_space<vmem>>
        %dma_start3A_38 = tpu.memref_squeeze %dma_start3A_37 : memref<1x128xi32, #tpu.memory_space<vmem>> -> memref<128xi32, #tpu.memory_space<vmem>>
        %dma_start3A_39 = arith.constant 0 : i32
        %dma_start3A_40 = arith.constant 0 : i32
        %dma_start3A_41 = tpu.memref_slice %arg9[%dma_start3A_39, %dma_start3A_40] : memref<10240x128xf32, #tpu.memory_space<vmem_shared>> -> memref<10240x128xf32, #tpu.memory_space<vmem_shared>>
        tpu.enqueue_indirect_dma source(%arg8 : memref<128x128xf32, #tpu.memory_space<vmem>>) target(%dma_start3A_41 : memref<10240x128xf32, #tpu.memory_space<vmem_shared>>) offsets(%dma_start3A_38 : memref<128xi32, #tpu.memory_space<vmem>>) semaphore(%run_scoped3A : memref<!tpu.dma_semaphore, #tpu.memory_space<semaphore_mem>>) {add = true}
        %dma_wait3A_42 = arith.constant 0 : i32
        %dma_wait3A_43 = tpu.memref_slice %arg7[%scan3A_25, %dma_wait3A_42] : memref<79x128xi32, #tpu.memory_space<vmem>> -> memref<1x128xi32, #tpu.memory_space<vmem>>
        %dma_wait3A_44 = tpu.memref_squeeze %dma_wait3A_43 : memref<1x128xi32, #tpu.memory_space<vmem>> -> memref<128xi32, #tpu.memory_space<vmem>>
        %dma_wait3A_45 = arith.constant 0 : i32
        %dma_wait3A_46 = arith.constant 0 : i32
        %dma_wait3A_47 = tpu.memref_slice %arg9[%dma_wait3A_45, %dma_wait3A_46] : memref<10240x128xf32, #tpu.memory_space<vmem_shared>> -> memref<10240x128xf32, #tpu.memory_space<vmem_shared>>
        tpu.wait_indirect_dma semaphore(%run_scoped3A : memref<!tpu.dma_semaphore, #tpu.memory_space<semaphore_mem>>) src(%arg8 : memref<128x128xf32, #tpu.memory_space<vmem>>) dst(%dma_wait3A_47 : memref<10240x128xf32, #tpu.memory_space<vmem_shared>>)
        tpu.yield
      }) : () -> ()
    }
    %scan3A_23 = arith.constant 79 : i32
    %barrier3A_24 = arith.constant 0 : index
    tpu.barrier barrier_id(%barrier3A_24)
    "tpu.region"() ({
      %run_scoped3A = tpu.sem_alloc : memref<!tpu.dma_semaphore, #tpu.memory_space<semaphore_mem>>
      %dma_start3A = arith.constant 0 : i32
      %dma_start3A_25 = tpu.memref_slice %arg5[%arg0, %mul3A_7, %dma_start3A] : memref<2x10240x128xf32, #tpu.memory_space<hbm>> -> memref<1x640x128xf32, #tpu.memory_space<hbm>>
      %dma_start3A_26 = tpu.memref_squeeze %dma_start3A_25 : memref<1x640x128xf32, #tpu.memory_space<hbm>> -> memref<640x128xf32, #tpu.memory_space<hbm>>
      %dma_start3A_27 = arith.constant 0 : i32
      %dma_start3A_28 = tpu.memref_slice %arg9[%mul3A_7, %dma_start3A_27] : memref<10240x128xf32, #tpu.memory_space<vmem_shared>> -> memref<640x128xf32, #tpu.memory_space<vmem_shared>>
      tpu.enqueue_dma source(%dma_start3A_28 : memref<640x128xf32, #tpu.memory_space<vmem_shared>>) target(%dma_start3A_26 : memref<640x128xf32, #tpu.memory_space<hbm>>) target_semaphore(%run_scoped3A : memref<!tpu.dma_semaphore, #tpu.memory_space<semaphore_mem>>)
      %dma_wait3A = arith.constant 0 : i32
      %dma_wait3A_29 = tpu.memref_slice %arg5[%arg0, %mul3A_7, %dma_wait3A] : memref<2x10240x128xf32, #tpu.memory_space<hbm>> -> memref<1x640x128xf32, #tpu.memory_space<hbm>>
      %dma_wait3A_30 = tpu.memref_squeeze %dma_wait3A_29 : memref<1x640x128xf32, #tpu.memory_space<hbm>> -> memref<640x128xf32, #tpu.memory_space<hbm>>
      %dma_wait3A_31 = arith.constant 0 : i32
      %dma_wait3A_32 = tpu.memref_slice %arg9[%mul3A_7, %dma_wait3A_31] : memref<10240x128xf32, #tpu.memory_space<vmem_shared>> -> memref<640x128xf32, #tpu.memory_space<vmem_shared>>
      tpu.wait_dma2 semaphore(%run_scoped3A : memref<!tpu.dma_semaphore, #tpu.memory_space<semaphore_mem>>) src(%dma_wait3A_32 : memref<640x128xf32, #tpu.memory_space<vmem_shared>>) dst(%dma_wait3A_30 : memref<640x128xf32, #tpu.memory_space<hbm>>)
      tpu.yield
    }) : () -> ()
    return
  }
}

module attributes {stable_mosaic.version = 14 : i64} {
  func.func @_tc1_body(%arg0: memref<10000x128xf32, #tpu.memory_space<vmem>>, %arg1: memref<128x128xf32, #tpu.memory_space<vmem>>, %arg2: memref<10240x2xf32, #tpu.memory_space<vmem>>, %arg3: memref<10240x128xf32, #tpu.memory_space<vmem>>, %arg4: memref<10000x1xf32, #tpu.memory_space<vmem>>) attributes {dimension_semantics = [], scalar_prefetch = 0 : i64, scratch_operands = 0 : i64, tpu.core_type = #tpu.core_type<tc>} {
    %get3A = arith.constant 0 : index
    %get3A_0 = arith.constant 0 : index
    %get3A_1 = vector.load %arg2[%get3A, %get3A_0] : memref<10240x2xf32, #tpu.memory_space<vmem>>, vector<10240x2xf32>
    %slice3A = vector.extract_strided_slice %get3A_1 {offsets = [0, 0], sizes = [10000, 1], strides = [1, 1]} : vector<10240x2xf32> to vector<10000x1xf32>
    %slice3A_2 = vector.extract_strided_slice %get3A_1 {offsets = [0, 1], sizes = [10000, 1], strides = [1, 1]} : vector<10240x2xf32> to vector<10000x1xf32>
    %add3A = arith.addf %slice3A, %slice3A_2 : vector<10000x1xf32>
    %add3A_3 = arith.constant 1.000000e+00 : f32
    %add3A_4 = vector.broadcast %add3A_3 : f32 to vector<10000x1xf32>
    %add3A_5 = arith.addf %add3A, %add3A_4 : vector<10000x1xf32>
    %rsqrt3A = math.rsqrt %add3A_5 : vector<10000x1xf32>
    %mul3A = arith.constant 5.000000e-01 : f32
    %mul3A_6 = vector.broadcast %mul3A : f32 to vector<10000x1xf32>
    %mul3A_7 = arith.mulf %mul3A_6, %add3A_5 : vector<10000x1xf32>
    %mul3A_8 = arith.mulf %mul3A_7, %rsqrt3A : vector<10000x1xf32>
    %mul3A_9 = arith.mulf %mul3A_8, %rsqrt3A : vector<10000x1xf32>
    %sub3A = arith.constant 1.500000e+00 : f32
    %sub3A_10 = vector.broadcast %sub3A : f32 to vector<10000x1xf32>
    %sub3A_11 = arith.subf %sub3A_10, %mul3A_9 : vector<10000x1xf32>
    %mul3A_12 = arith.mulf %rsqrt3A, %sub3A_11 : vector<10000x1xf32>
    %mul3A_13 = arith.constant 5.000000e-01 : f32
    %mul3A_14 = vector.broadcast %mul3A_13 : f32 to vector<10000x1xf32>
    %mul3A_15 = arith.mulf %mul3A_14, %add3A_5 : vector<10000x1xf32>
    %mul3A_16 = arith.mulf %mul3A_15, %mul3A_12 : vector<10000x1xf32>
    %mul3A_17 = arith.mulf %mul3A_16, %mul3A_12 : vector<10000x1xf32>
    %sub3A_18 = arith.constant 1.500000e+00 : f32
    %sub3A_19 = vector.broadcast %sub3A_18 : f32 to vector<10000x1xf32>
    %sub3A_20 = arith.subf %sub3A_19, %mul3A_17 : vector<10000x1xf32>
    %mul3A_21 = arith.mulf %mul3A_12, %sub3A_20 : vector<10000x1xf32>
    %get3A_22 = arith.constant 0 : index
    %get3A_23 = arith.constant 0 : index
    %get3A_24 = vector.load %arg0[%get3A_22, %get3A_23] : memref<10000x128xf32, #tpu.memory_space<vmem>>, vector<10000x128xf32>
    %get3A_25 = arith.constant 0 : index
    %get3A_26 = arith.constant 0 : index
    %get3A_27 = vector.load %arg1[%get3A_25, %get3A_26] : memref<128x128xf32, #tpu.memory_space<vmem>>, vector<128x128xf32>
    %dot_general3A = arith.constant dense<0.000000e+00> : vector<10000x128xf32>
    %dot_general3A_28 = tpu.matmul %get3A_24, %get3A_27, %dot_general3A {dimension_numbers = #tpu.dot_dimension_numbers<[1], [0], [0], [1], [0, 0, 1, 1], [], []>, transpose_lhs_hint = false} : vector<10000x128xf32>, vector<128x128xf32>, vector<10000x128xf32> -> vector<10000x128xf32>
    %mul3A_29 = vector.broadcast %mul3A_21 : vector<10000x1xf32> to vector<10000x128xf32>
    %mul3A_30 = arith.mulf %dot_general3A_28, %mul3A_29 : vector<10000x128xf32>
    %swap3A = arith.constant 0 : index
    %swap3A_31 = arith.constant 0 : index
    %swap3A_32 = vector.load %arg3[%swap3A, %swap3A_31] : memref<10240x128xf32, #tpu.memory_space<vmem>>, vector<10000x128xf32>
    tpu.vector_store %arg3[%swap3A, %swap3A_31], %mul3A_30 {strides = array<i32>} : memref<10240x128xf32, #tpu.memory_space<vmem>>, vector<10000x128xf32>,
    %broadcast_in_dim3A = arith.constant 0.000000e+00 : f32
    %broadcast_in_dim3A_33 = vector.broadcast %broadcast_in_dim3A : f32 to vector<240x128xf32>
    %swap3A_34 = arith.constant 10000 : index
    %swap3A_35 = arith.constant 0 : index
    %swap3A_36 = vector.load %arg3[%swap3A_34, %swap3A_35] : memref<10240x128xf32, #tpu.memory_space<vmem>>, vector<240x128xf32>
    tpu.vector_store %arg3[%swap3A_34, %swap3A_35], %broadcast_in_dim3A_33 {strides = array<i32>} : memref<10240x128xf32, #tpu.memory_space<vmem>>, vector<240x128xf32>,
    %swap3A_37 = arith.constant 0 : index
    %swap3A_38 = arith.constant 0 : index
    %swap3A_39 = vector.load %arg4[%swap3A_37, %swap3A_38] : memref<10000x1xf32, #tpu.memory_space<vmem>>, vector<10000x1xf32>
    tpu.vector_store %arg4[%swap3A_37, %swap3A_38], %mul3A_21 {strides = array<i32>} : memref<10000x1xf32, #tpu.memory_space<vmem>>, vector<10000x1xf32>,
    return
  }
}

module attributes {stable_mosaic.version = 14 : i64} {
  func.func @_tc2_body(%arg0: memref<2x10240x128xf32, #tpu.memory_space<vmem>>, %arg1: memref<10240x128xf32, #tpu.memory_space<vmem>>, %arg2: memref<10000x1xf32, #tpu.memory_space<vmem>>, %arg3: memref<1x128xf32, #tpu.memory_space<vmem>>, %arg4: memref<1x128xf32, #tpu.memory_space<vmem>>, %arg5: memref<1x128xf32, #tpu.memory_space<vmem>>, %arg6: memref<128x128xf32, #tpu.memory_space<vmem>>, %arg7: memref<10240x128xf32, #tpu.memory_space<vmem>>) attributes {dimension_semantics = [], scalar_prefetch = 0 : i64, scratch_operands = 0 : i64, tpu.core_type = #tpu.core_type<tc>} {
    %get3A = arith.constant 0 : index
    %get3A_0 = arith.constant 0 : index
    %get3A_1 = arith.constant 0 : index
    %get3A_2 = vector.load %arg0[%get3A, %get3A_0, %get3A_1] : memref<2x10240x128xf32, #tpu.memory_space<vmem>>, vector<1x10240x128xf32>
    %get3A_3 = vector.shape_cast %get3A_2 : vector<1x10240x128xf32> to vector<10240x128xf32>
    %get3A_4 = arith.constant 1 : index
    %get3A_5 = arith.constant 0 : index
    %get3A_6 = arith.constant 0 : index
    %get3A_7 = vector.load %arg0[%get3A_4, %get3A_5, %get3A_6] : memref<2x10240x128xf32, #tpu.memory_space<vmem>>, vector<1x10240x128xf32>
    %get3A_8 = vector.shape_cast %get3A_7 : vector<1x10240x128xf32> to vector<10240x128xf32>
    %add3A = arith.addf %get3A_3, %get3A_8 : vector<10240x128xf32>
    %get3A_9 = arith.constant 0 : index
    %get3A_10 = arith.constant 0 : index
    %get3A_11 = vector.load %arg1[%get3A_9, %get3A_10] : memref<10240x128xf32, #tpu.memory_space<vmem>>, vector<10240x128xf32>
    %add3A_12 = arith.addf %add3A, %get3A_11 : vector<10240x128xf32>
    %get3A_13 = arith.constant 0 : index
    %get3A_14 = arith.constant 0 : index
    %get3A_15 = vector.load %arg2[%get3A_13, %get3A_14] : memref<10000x1xf32, #tpu.memory_space<vmem>>, vector<10000x1xf32>
    %slice3A = vector.extract_strided_slice %add3A_12 {offsets = [0, 0], sizes = [10000, 128], strides = [1, 1]} : vector<10240x128xf32> to vector<10000x128xf32>
    %mul3A = vector.broadcast %get3A_15 : vector<10000x1xf32> to vector<10000x128xf32>
    %mul3A_16 = arith.mulf %slice3A, %mul3A : vector<10000x128xf32>
    %get3A_17 = arith.constant 0 : index
    %get3A_18 = arith.constant 0 : index
    %get3A_19 = vector.load %arg3[%get3A_17, %get3A_18] : memref<1x128xf32, #tpu.memory_space<vmem>>, vector<1x128xf32>
    %add3A_20 = vector.broadcast %get3A_19 : vector<1x128xf32> to vector<10000x128xf32>
    %add3A_21 = arith.addf %mul3A_16, %add3A_20 : vector<10000x128xf32>
    %get3A_22 = arith.constant 0 : index
    %get3A_23 = arith.constant 0 : index
    %get3A_24 = vector.load %arg4[%get3A_22, %get3A_23] : memref<1x128xf32, #tpu.memory_space<vmem>>, vector<1x128xf32>
    %get3A_25 = arith.constant 0 : index
    %get3A_26 = arith.constant 0 : index
    %get3A_27 = vector.load %arg5[%get3A_25, %get3A_26] : memref<1x128xf32, #tpu.memory_space<vmem>>, vector<1x128xf32>
    %broadcast_in_dim3A = arith.constant 1.000000e+00 : f32
    %broadcast_in_dim3A_28 = vector.broadcast %broadcast_in_dim3A : f32 to vector<1x10000xf32>
    %dot_general3A = arith.constant dense<0.000000e+00> : vector<1x128xf32>
    %dot_general3A_29 = tpu.matmul %broadcast_in_dim3A_28, %add3A_21, %dot_general3A {dimension_numbers = #tpu.dot_dimension_numbers<[1], [0], [0], [1], [0, 0, 1, 1], [], []>, precision = #tpu.contract_precision<fp32>, transpose_lhs_hint = false} : vector<1x10000xf32>, vector<10000x128xf32>, vector<1x128xf32> -> vector<1x128xf32>
    %mul3A_30 = arith.constant 9.99999974E-5 : f32
    %mul3A_31 = vector.broadcast %mul3A_30 : f32 to vector<1x128xf32>
    %mul3A_32 = arith.mulf %dot_general3A_29, %mul3A_31 : vector<1x128xf32>
    %sub3A = vector.broadcast %mul3A_32 : vector<1x128xf32> to vector<10000x128xf32>
    %sub3A_33 = arith.subf %add3A_21, %sub3A : vector<10000x128xf32>
    %integer_pow3A = arith.mulf %sub3A_33, %sub3A_33 : vector<10000x128xf32>
    %broadcast_in_dim3A_34 = arith.constant 1.000000e+00 : f32
    %broadcast_in_dim3A_35 = vector.broadcast %broadcast_in_dim3A_34 : f32 to vector<1x10000xf32>
    %dot_general3A_36 = arith.constant dense<0.000000e+00> : vector<1x128xf32>
    %dot_general3A_37 = tpu.matmul %broadcast_in_dim3A_35, %integer_pow3A, %dot_general3A_36 {dimension_numbers = #tpu.dot_dimension_numbers<[1], [0], [0], [1], [0, 0, 1, 1], [], []>, precision = #tpu.contract_precision<fp32>, transpose_lhs_hint = false} : vector<1x10000xf32>, vector<10000x128xf32>, vector<1x128xf32> -> vector<1x128xf32>
    %mul3A_38 = arith.constant 9.99999974E-5 : f32
    %mul3A_39 = vector.broadcast %mul3A_38 : f32 to vector<1x128xf32>
    %mul3A_40 = arith.mulf %dot_general3A_37, %mul3A_39 : vector<1x128xf32>
    %sub3A_41 = vector.broadcast %mul3A_32 : vector<1x128xf32> to vector<10000x128xf32>
    %sub3A_42 = arith.subf %add3A_21, %sub3A_41 : vector<10000x128xf32>
    %add3A_43 = arith.constant 9.99999974E-6 : f32
    %add3A_44 = vector.broadcast %add3A_43 : f32 to vector<1x128xf32>
    %add3A_45 = arith.addf %mul3A_40, %add3A_44 : vector<1x128xf32>
    %rsqrt3A = math.rsqrt %add3A_45 : vector<1x128xf32>
    %mul3A_46 = arith.constant 5.000000e-01 : f32
    %mul3A_47 = vector.broadcast %mul3A_46 : f32 to vector<1x128xf32>
    %mul3A_48 = arith.mulf %mul3A_47, %add3A_45 : vector<1x128xf32>
    %mul3A_49 = arith.mulf %mul3A_48, %rsqrt3A : vector<1x128xf32>
    %mul3A_50 = arith.mulf %mul3A_49, %rsqrt3A : vector<1x128xf32>
    %sub3A_51 = arith.constant 1.500000e+00 : f32
    %sub3A_52 = vector.broadcast %sub3A_51 : f32 to vector<1x128xf32>
    %sub3A_53 = arith.subf %sub3A_52, %mul3A_50 : vector<1x128xf32>
    %mul3A_54 = arith.mulf %rsqrt3A, %sub3A_53 : vector<1x128xf32>
    %mul3A_55 = arith.constant 5.000000e-01 : f32
    %mul3A_56 = vector.broadcast %mul3A_55 : f32 to vector<1x128xf32>
    %mul3A_57 = arith.mulf %mul3A_56, %add3A_45 : vector<1x128xf32>
    %mul3A_58 = arith.mulf %mul3A_57, %mul3A_54 : vector<1x128xf32>
    %mul3A_59 = arith.mulf %mul3A_58, %mul3A_54 : vector<1x128xf32>
    %sub3A_60 = arith.constant 1.500000e+00 : f32
    %sub3A_61 = vector.broadcast %sub3A_60 : f32 to vector<1x128xf32>
    %sub3A_62 = arith.subf %sub3A_61, %mul3A_59 : vector<1x128xf32>
    %mul3A_63 = arith.mulf %mul3A_54, %sub3A_62 : vector<1x128xf32>
    %mul3A_64 = vector.broadcast %mul3A_63 : vector<1x128xf32> to vector<10000x128xf32>
    %mul3A_65 = arith.mulf %sub3A_42, %mul3A_64 : vector<10000x128xf32>
    %mul3A_66 = vector.broadcast %get3A_24 : vector<1x128xf32> to vector<10000x128xf32>
    %mul3A_67 = arith.mulf %mul3A_65, %mul3A_66 : vector<10000x128xf32>
    %add3A_68 = vector.broadcast %get3A_27 : vector<1x128xf32> to vector<10000x128xf32>
    %add3A_69 = arith.addf %mul3A_67, %add3A_68 : vector<10000x128xf32>
    %max3A = arith.constant 0.000000e+00 : f32
    %max3A_70 = vector.broadcast %max3A : f32 to vector<10000x128xf32>
    %max3A_71 = arith.maximumf %add3A_69, %max3A_70 : vector<10000x128xf32>
    %get3A_72 = arith.constant 0 : index
    %get3A_73 = arith.constant 0 : index
    %get3A_74 = vector.load %arg6[%get3A_72, %get3A_73] : memref<128x128xf32, #tpu.memory_space<vmem>>, vector<128x128xf32>
    %dot_general3A_75 = arith.constant dense<0.000000e+00> : vector<10000x128xf32>
    %dot_general3A_76 = tpu.matmul %max3A_71, %get3A_74, %dot_general3A_75 {dimension_numbers = #tpu.dot_dimension_numbers<[1], [0], [0], [1], [0, 0, 1, 1], [], []>, transpose_lhs_hint = false} : vector<10000x128xf32>, vector<128x128xf32>, vector<10000x128xf32> -> vector<10000x128xf32>
    %mul3A_77 = vector.broadcast %get3A_15 : vector<10000x1xf32> to vector<10000x128xf32>
    %mul3A_78 = arith.mulf %dot_general3A_76, %mul3A_77 : vector<10000x128xf32>
    %swap3A = arith.constant 0 : index
    %swap3A_79 = arith.constant 0 : index
    %swap3A_80 = vector.load %arg7[%swap3A, %swap3A_79] : memref<10240x128xf32, #tpu.memory_space<vmem>>, vector<10000x128xf32>
    tpu.vector_store %arg7[%swap3A, %swap3A_79], %mul3A_78 {strides = array<i32>} : memref<10240x128xf32, #tpu.memory_space<vmem>>, vector<10000x128xf32>,
    %broadcast_in_dim3A_81 = arith.constant 0.000000e+00 : f32
    %broadcast_in_dim3A_82 = vector.broadcast %broadcast_in_dim3A_81 : f32 to vector<240x128xf32>
    %swap3A_83 = arith.constant 10000 : index
    %swap3A_84 = arith.constant 0 : index
    %swap3A_85 = vector.load %arg7[%swap3A_83, %swap3A_84] : memref<10240x128xf32, #tpu.memory_space<vmem>>, vector<240x128xf32>
    tpu.vector_store %arg7[%swap3A_83, %swap3A_84], %broadcast_in_dim3A_82 {strides = array<i32>} : memref<10240x128xf32, #tpu.memory_space<vmem>>, vector<240x128xf32>,
    return
  }
}

module attributes {stable_mosaic.version = 14 : i64} {
  func.func @_tc3_body(%arg0: memref<2x10240x128xf32, #tpu.memory_space<vmem>>, %arg1: memref<10240x128xf32, #tpu.memory_space<vmem>>, %arg2: memref<10000x1xf32, #tpu.memory_space<vmem>>, %arg3: memref<1x128xf32, #tpu.memory_space<vmem>>, %arg4: memref<1x128xf32, #tpu.memory_space<vmem>>, %arg5: memref<1x128xf32, #tpu.memory_space<vmem>>, %arg6: memref<10000x1xi32, #tpu.memory_space<vmem>>, %arg7: memref<128x256xf32, #tpu.memory_space<vmem>>, %arg8: memref<1x256xf32, #tpu.memory_space<vmem>>, %arg9: memref<1x256xf32, #tpu.memory_space<vmem>>, %arg10: memref<1x256xf32, #tpu.memory_space<vmem>>, %arg11: memref<256x128xf32, #tpu.memory_space<vmem>>, %arg12: memref<1x128xf32, #tpu.memory_space<vmem>>, %arg13: memref<1x128xf32, #tpu.memory_space<vmem>>, %arg14: memref<1x128xf32, #tpu.memory_space<vmem>>, %arg15: memref<128x64xf32, #tpu.memory_space<vmem>>, %arg16: memref<1x64xf32, #tpu.memory_space<vmem>>, %arg17: memref<64x1xf32, #tpu.memory_space<vmem>>, %arg18: memref<1x1xf32, #tpu.memory_space<vmem>>, %arg19: memref<64x1xf32, #tpu.memory_space<vmem>>) attributes {dimension_semantics = [], scalar_prefetch = 0 : i64, scratch_operands = 0 : i64, tpu.core_type = #tpu.core_type<tc>} {
    %get3A = arith.constant 0 : index
    %get3A_0 = arith.constant 0 : index
    %get3A_1 = arith.constant 0 : index
    %get3A_2 = vector.load %arg0[%get3A, %get3A_0, %get3A_1] : memref<2x10240x128xf32, #tpu.memory_space<vmem>>, vector<1x10240x128xf32>
    %get3A_3 = vector.shape_cast %get3A_2 : vector<1x10240x128xf32> to vector<10240x128xf32>
    %get3A_4 = arith.constant 1 : index
    %get3A_5 = arith.constant 0 : index
    %get3A_6 = arith.constant 0 : index
    %get3A_7 = vector.load %arg0[%get3A_4, %get3A_5, %get3A_6] : memref<2x10240x128xf32, #tpu.memory_space<vmem>>, vector<1x10240x128xf32>
    %get3A_8 = vector.shape_cast %get3A_7 : vector<1x10240x128xf32> to vector<10240x128xf32>
    %add3A = arith.addf %get3A_3, %get3A_8 : vector<10240x128xf32>
    %get3A_9 = arith.constant 0 : index
    %get3A_10 = arith.constant 0 : index
    %get3A_11 = vector.load %arg1[%get3A_9, %get3A_10] : memref<10240x128xf32, #tpu.memory_space<vmem>>, vector<10240x128xf32>
    %add3A_12 = arith.addf %add3A, %get3A_11 : vector<10240x128xf32>
    %slice3A = vector.extract_strided_slice %add3A_12 {offsets = [0, 0], sizes = [10000, 128], strides = [1, 1]} : vector<10240x128xf32> to vector<10000x128xf32>
    %get3A_13 = arith.constant 0 : index
    %get3A_14 = arith.constant 0 : index
    %get3A_15 = vector.load %arg2[%get3A_13, %get3A_14] : memref<10000x1xf32, #tpu.memory_space<vmem>>, vector<10000x1xf32>
    %mul3A = vector.broadcast %get3A_15 : vector<10000x1xf32> to vector<10000x128xf32>
    %mul3A_16 = arith.mulf %slice3A, %mul3A : vector<10000x128xf32>
    %get3A_17 = arith.constant 0 : index
    %get3A_18 = arith.constant 0 : index
    %get3A_19 = vector.load %arg3[%get3A_17, %get3A_18] : memref<1x128xf32, #tpu.memory_space<vmem>>, vector<1x128xf32>
    %add3A_20 = vector.broadcast %get3A_19 : vector<1x128xf32> to vector<10000x128xf32>
    %add3A_21 = arith.addf %mul3A_16, %add3A_20 : vector<10000x128xf32>
    %get3A_22 = arith.constant 0 : index
    %get3A_23 = arith.constant 0 : index
    %get3A_24 = vector.load %arg4[%get3A_22, %get3A_23] : memref<1x128xf32, #tpu.memory_space<vmem>>, vector<1x128xf32>
    %get3A_25 = arith.constant 0 : index
    %get3A_26 = arith.constant 0 : index
    %get3A_27 = vector.load %arg5[%get3A_25, %get3A_26] : memref<1x128xf32, #tpu.memory_space<vmem>>, vector<1x128xf32>
    %broadcast_in_dim3A = arith.constant 1.000000e+00 : f32
    %broadcast_in_dim3A_28 = vector.broadcast %broadcast_in_dim3A : f32 to vector<1x10000xf32>
    %dot_general3A = arith.constant dense<0.000000e+00> : vector<1x128xf32>
    %dot_general3A_29 = tpu.matmul %broadcast_in_dim3A_28, %add3A_21, %dot_general3A {dimension_numbers = #tpu.dot_dimension_numbers<[1], [0], [0], [1], [0, 0, 1, 1], [], []>, precision = #tpu.contract_precision<fp32>, transpose_lhs_hint = false} : vector<1x10000xf32>, vector<10000x128xf32>, vector<1x128xf32> -> vector<1x128xf32>
    %mul3A_30 = arith.constant 9.99999974E-5 : f32
    %mul3A_31 = vector.broadcast %mul3A_30 : f32 to vector<1x128xf32>
    %mul3A_32 = arith.mulf %dot_general3A_29, %mul3A_31 : vector<1x128xf32>
    %sub3A = vector.broadcast %mul3A_32 : vector<1x128xf32> to vector<10000x128xf32>
    %sub3A_33 = arith.subf %add3A_21, %sub3A : vector<10000x128xf32>
    %integer_pow3A = arith.mulf %sub3A_33, %sub3A_33 : vector<10000x128xf32>
    %broadcast_in_dim3A_34 = arith.constant 1.000000e+00 : f32
    %broadcast_in_dim3A_35 = vector.broadcast %broadcast_in_dim3A_34 : f32 to vector<1x10000xf32>
    %dot_general3A_36 = arith.constant dense<0.000000e+00> : vector<1x128xf32>
    %dot_general3A_37 = tpu.matmul %broadcast_in_dim3A_35, %integer_pow3A, %dot_general3A_36 {dimension_numbers = #tpu.dot_dimension_numbers<[1], [0], [0], [1], [0, 0, 1, 1], [], []>, precision = #tpu.contract_precision<fp32>, transpose_lhs_hint = false} : vector<1x10000xf32>, vector<10000x128xf32>, vector<1x128xf32> -> vector<1x128xf32>
    %mul3A_38 = arith.constant 9.99999974E-5 : f32
    %mul3A_39 = vector.broadcast %mul3A_38 : f32 to vector<1x128xf32>
    %mul3A_40 = arith.mulf %dot_general3A_37, %mul3A_39 : vector<1x128xf32>
    %sub3A_41 = vector.broadcast %mul3A_32 : vector<1x128xf32> to vector<10000x128xf32>
    %sub3A_42 = arith.subf %add3A_21, %sub3A_41 : vector<10000x128xf32>
    %add3A_43 = arith.constant 9.99999974E-6 : f32
    %add3A_44 = vector.broadcast %add3A_43 : f32 to vector<1x128xf32>
    %add3A_45 = arith.addf %mul3A_40, %add3A_44 : vector<1x128xf32>
    %rsqrt3A = math.rsqrt %add3A_45 : vector<1x128xf32>
    %mul3A_46 = arith.constant 5.000000e-01 : f32
    %mul3A_47 = vector.broadcast %mul3A_46 : f32 to vector<1x128xf32>
    %mul3A_48 = arith.mulf %mul3A_47, %add3A_45 : vector<1x128xf32>
    %mul3A_49 = arith.mulf %mul3A_48, %rsqrt3A : vector<1x128xf32>
    %mul3A_50 = arith.mulf %mul3A_49, %rsqrt3A : vector<1x128xf32>
    %sub3A_51 = arith.constant 1.500000e+00 : f32
    %sub3A_52 = vector.broadcast %sub3A_51 : f32 to vector<1x128xf32>
    %sub3A_53 = arith.subf %sub3A_52, %mul3A_50 : vector<1x128xf32>
    %mul3A_54 = arith.mulf %rsqrt3A, %sub3A_53 : vector<1x128xf32>
    %mul3A_55 = arith.constant 5.000000e-01 : f32
    %mul3A_56 = vector.broadcast %mul3A_55 : f32 to vector<1x128xf32>
    %mul3A_57 = arith.mulf %mul3A_56, %add3A_45 : vector<1x128xf32>
    %mul3A_58 = arith.mulf %mul3A_57, %mul3A_54 : vector<1x128xf32>
    %mul3A_59 = arith.mulf %mul3A_58, %mul3A_54 : vector<1x128xf32>
    %sub3A_60 = arith.constant 1.500000e+00 : f32
    %sub3A_61 = vector.broadcast %sub3A_60 : f32 to vector<1x128xf32>
    %sub3A_62 = arith.subf %sub3A_61, %mul3A_59 : vector<1x128xf32>
    %mul3A_63 = arith.mulf %mul3A_54, %sub3A_62 : vector<1x128xf32>
    %mul3A_64 = vector.broadcast %mul3A_63 : vector<1x128xf32> to vector<10000x128xf32>
    %mul3A_65 = arith.mulf %sub3A_42, %mul3A_64 : vector<10000x128xf32>
    %mul3A_66 = vector.broadcast %get3A_24 : vector<1x128xf32> to vector<10000x128xf32>
    %mul3A_67 = arith.mulf %mul3A_65, %mul3A_66 : vector<10000x128xf32>
    %add3A_68 = vector.broadcast %get3A_27 : vector<1x128xf32> to vector<10000x128xf32>
    %add3A_69 = arith.addf %mul3A_67, %add3A_68 : vector<10000x128xf32>
    %max3A = arith.constant 0.000000e+00 : f32
    %max3A_70 = vector.broadcast %max3A : f32 to vector<10000x128xf32>
    %max3A_71 = arith.maximumf %add3A_69, %max3A_70 : vector<10000x128xf32>
    %iota3A = tpu.iota {dimensions = array<i32: 1>} : vector<10000x64xi32>
    %get3A_72 = arith.constant 0 : index
    %get3A_73 = arith.constant 0 : index
    %get3A_74 = vector.load %arg6[%get3A_72, %get3A_73] : memref<10000x1xi32, #tpu.memory_space<vmem>>, vector<10000x1xi32>
    %eq3A = vector.broadcast %get3A_74 : vector<10000x1xi32> to vector<10000x64xi32>
    %eq3A_75 = arith.cmpi eq, %eq3A, %iota3A : vector<10000x64xi32>
    %convert_element_type3A = arith.extui %eq3A_75 : vector<10000x64xi1> to vector<10000x64xi32>
    %convert_element_type3A_76 = arith.sitofp %convert_element_type3A : vector<10000x64xi32> to vector<10000x64xf32>
    %dot_general3A_77 = arith.constant dense<0.000000e+00> : vector<64x128xf32>
    %dot_general3A_78 = tpu.matmul %convert_element_type3A_76, %max3A_71, %dot_general3A_77 {dimension_numbers = #tpu.dot_dimension_numbers<[0], [0], [1], [1], [0, 1, 1, 1], [], []>, precision = #tpu.contract_precision<fp32>, transpose_lhs_hint = false} : vector<10000x64xf32>, vector<10000x128xf32>, vector<64x128xf32> -> vector<64x128xf32>
    %broadcast_in_dim3A_79 = arith.constant 1.000000e+00 : f32
    %broadcast_in_dim3A_80 = vector.broadcast %broadcast_in_dim3A_79 : f32 to vector<10000x1xf32>
    %dot_general3A_81 = arith.constant dense<0.000000e+00> : vector<64x1xf32>
    %dot_general3A_82 = tpu.matmul %convert_element_type3A_76, %broadcast_in_dim3A_80, %dot_general3A_81 {dimension_numbers = #tpu.dot_dimension_numbers<[0], [0], [1], [1], [0, 1, 1, 1], [], []>, precision = #tpu.contract_precision<fp32>, transpose_lhs_hint = false} : vector<10000x64xf32>, vector<10000x1xf32>, vector<64x1xf32> -> vector<64x1xf32>
    %max3A_83 = arith.constant 1.000000e+00 : f32
    %max3A_84 = vector.broadcast %max3A_83 : f32 to vector<64x1xf32>
    %max3A_85 = arith.maximumf %dot_general3A_82, %max3A_84 : vector<64x1xf32>
    %div3A = vector.broadcast %max3A_85 : vector<64x1xf32> to vector<64x128xf32>
    %div3A_86 = arith.divf %dot_general3A_78, %div3A : vector<64x128xf32>
    %get3A_87 = arith.constant 0 : index
    %get3A_88 = arith.constant 0 : index
    %get3A_89 = vector.load %arg7[%get3A_87, %get3A_88] : memref<128x256xf32, #tpu.memory_space<vmem>>, vector<128x256xf32>
    %dot_general3A_90 = arith.constant dense<0.000000e+00> : vector<64x256xf32>
    %dot_general3A_91 = tpu.matmul %div3A_86, %get3A_89, %dot_general3A_90 {dimension_numbers = #tpu.dot_dimension_numbers<[1], [0], [0], [1], [0, 0, 1, 1], [], []>, transpose_lhs_hint = false} : vector<64x128xf32>, vector<128x256xf32>, vector<64x256xf32> -> vector<64x256xf32>
    %get3A_92 = arith.constant 0 : index
    %get3A_93 = arith.constant 0 : index
    %get3A_94 = vector.load %arg8[%get3A_92, %get3A_93] : memref<1x256xf32, #tpu.memory_space<vmem>>, vector<1x256xf32>
    %add3A_95 = vector.broadcast %get3A_94 : vector<1x256xf32> to vector<64x256xf32>
    %add3A_96 = arith.addf %dot_general3A_91, %add3A_95 : vector<64x256xf32>
    %get3A_97 = arith.constant 0 : index
    %get3A_98 = arith.constant 0 : index
    %get3A_99 = vector.load %arg9[%get3A_97, %get3A_98] : memref<1x256xf32, #tpu.memory_space<vmem>>, vector<1x256xf32>
    %get3A_100 = arith.constant 0 : index
    %get3A_101 = arith.constant 0 : index
    %get3A_102 = vector.load %arg10[%get3A_100, %get3A_101] : memref<1x256xf32, #tpu.memory_space<vmem>>, vector<1x256xf32>
    %broadcast_in_dim3A_103 = arith.constant 1.000000e+00 : f32
    %broadcast_in_dim3A_104 = vector.broadcast %broadcast_in_dim3A_103 : f32 to vector<1x64xf32>
    %dot_general3A_105 = arith.constant dense<0.000000e+00> : vector<1x256xf32>
    %dot_general3A_106 = tpu.matmul %broadcast_in_dim3A_104, %add3A_96, %dot_general3A_105 {dimension_numbers = #tpu.dot_dimension_numbers<[1], [0], [0], [1], [0, 0, 1, 1], [], []>, precision = #tpu.contract_precision<fp32>, transpose_lhs_hint = false} : vector<1x64xf32>, vector<64x256xf32>, vector<1x256xf32> -> vector<1x256xf32>
    %mul3A_107 = arith.constant 1.562500e-02 : f32
    %mul3A_108 = vector.broadcast %mul3A_107 : f32 to vector<1x256xf32>
    %mul3A_109 = arith.mulf %dot_general3A_106, %mul3A_108 : vector<1x256xf32>
    %sub3A_110 = vector.broadcast %mul3A_109 : vector<1x256xf32> to vector<64x256xf32>
    %sub3A_111 = arith.subf %add3A_96, %sub3A_110 : vector<64x256xf32>
    %integer_pow3A_112 = arith.mulf %sub3A_111, %sub3A_111 : vector<64x256xf32>
    %broadcast_in_dim3A_113 = arith.constant 1.000000e+00 : f32
    %broadcast_in_dim3A_114 = vector.broadcast %broadcast_in_dim3A_113 : f32 to vector<1x64xf32>
    %dot_general3A_115 = arith.constant dense<0.000000e+00> : vector<1x256xf32>
    %dot_general3A_116 = tpu.matmul %broadcast_in_dim3A_114, %integer_pow3A_112, %dot_general3A_115 {dimension_numbers = #tpu.dot_dimension_numbers<[1], [0], [0], [1], [0, 0, 1, 1], [], []>, precision = #tpu.contract_precision<fp32>, transpose_lhs_hint = false} : vector<1x64xf32>, vector<64x256xf32>, vector<1x256xf32> -> vector<1x256xf32>
    %mul3A_117 = arith.constant 1.562500e-02 : f32
    %mul3A_118 = vector.broadcast %mul3A_117 : f32 to vector<1x256xf32>
    %mul3A_119 = arith.mulf %dot_general3A_116, %mul3A_118 : vector<1x256xf32>
    %sub3A_120 = vector.broadcast %mul3A_109 : vector<1x256xf32> to vector<64x256xf32>
    %sub3A_121 = arith.subf %add3A_96, %sub3A_120 : vector<64x256xf32>
    %add3A_122 = arith.constant 9.99999974E-6 : f32
    %add3A_123 = vector.broadcast %add3A_122 : f32 to vector<1x256xf32>
    %add3A_124 = arith.addf %mul3A_119, %add3A_123 : vector<1x256xf32>
    %rsqrt3A_125 = math.rsqrt %add3A_124 : vector<1x256xf32>
    %mul3A_126 = arith.constant 5.000000e-01 : f32
    %mul3A_127 = vector.broadcast %mul3A_126 : f32 to vector<1x256xf32>
    %mul3A_128 = arith.mulf %mul3A_127, %add3A_124 : vector<1x256xf32>
    %mul3A_129 = arith.mulf %mul3A_128, %rsqrt3A_125 : vector<1x256xf32>
    %mul3A_130 = arith.mulf %mul3A_129, %rsqrt3A_125 : vector<1x256xf32>
    %sub3A_131 = arith.constant 1.500000e+00 : f32
    %sub3A_132 = vector.broadcast %sub3A_131 : f32 to vector<1x256xf32>
    %sub3A_133 = arith.subf %sub3A_132, %mul3A_130 : vector<1x256xf32>
    %mul3A_134 = arith.mulf %rsqrt3A_125, %sub3A_133 : vector<1x256xf32>
    %mul3A_135 = arith.constant 5.000000e-01 : f32
    %mul3A_136 = vector.broadcast %mul3A_135 : f32 to vector<1x256xf32>
    %mul3A_137 = arith.mulf %mul3A_136, %add3A_124 : vector<1x256xf32>
    %mul3A_138 = arith.mulf %mul3A_137, %mul3A_134 : vector<1x256xf32>
    %mul3A_139 = arith.mulf %mul3A_138, %mul3A_134 : vector<1x256xf32>
    %sub3A_140 = arith.constant 1.500000e+00 : f32
    %sub3A_141 = vector.broadcast %sub3A_140 : f32 to vector<1x256xf32>
    %sub3A_142 = arith.subf %sub3A_141, %mul3A_139 : vector<1x256xf32>
    %mul3A_143 = arith.mulf %mul3A_134, %sub3A_142 : vector<1x256xf32>
    %mul3A_144 = vector.broadcast %mul3A_143 : vector<1x256xf32> to vector<64x256xf32>
    %mul3A_145 = arith.mulf %sub3A_121, %mul3A_144 : vector<64x256xf32>
    %mul3A_146 = vector.broadcast %get3A_99 : vector<1x256xf32> to vector<64x256xf32>
    %mul3A_147 = arith.mulf %mul3A_145, %mul3A_146 : vector<64x256xf32>
    %add3A_148 = vector.broadcast %get3A_102 : vector<1x256xf32> to vector<64x256xf32>
    %add3A_149 = arith.addf %mul3A_147, %add3A_148 : vector<64x256xf32>
    %max3A_150 = arith.constant 0.000000e+00 : f32
    %max3A_151 = vector.broadcast %max3A_150 : f32 to vector<64x256xf32>
    %max3A_152 = arith.maximumf %add3A_149, %max3A_151 : vector<64x256xf32>
    %get3A_153 = arith.constant 0 : index
    %get3A_154 = arith.constant 0 : index
    %get3A_155 = vector.load %arg11[%get3A_153, %get3A_154] : memref<256x128xf32, #tpu.memory_space<vmem>>, vector<256x128xf32>
    %dot_general3A_156 = arith.constant dense<0.000000e+00> : vector<64x128xf32>
    %dot_general3A_157 = tpu.matmul %max3A_152, %get3A_155, %dot_general3A_156 {dimension_numbers = #tpu.dot_dimension_numbers<[1], [0], [0], [1], [0, 0, 1, 1], [], []>, transpose_lhs_hint = false} : vector<64x256xf32>, vector<256x128xf32>, vector<64x128xf32> -> vector<64x128xf32>
    %get3A_158 = arith.constant 0 : index
    %get3A_159 = arith.constant 0 : index
    %get3A_160 = vector.load %arg12[%get3A_158, %get3A_159] : memref<1x128xf32, #tpu.memory_space<vmem>>, vector<1x128xf32>
    %add3A_161 = vector.broadcast %get3A_160 : vector<1x128xf32> to vector<64x128xf32>
    %add3A_162 = arith.addf %dot_general3A_157, %add3A_161 : vector<64x128xf32>
    %get3A_163 = arith.constant 0 : index
    %get3A_164 = arith.constant 0 : index
    %get3A_165 = vector.load %arg13[%get3A_163, %get3A_164] : memref<1x128xf32, #tpu.memory_space<vmem>>, vector<1x128xf32>
    %get3A_166 = arith.constant 0 : index
    %get3A_167 = arith.constant 0 : index
    %get3A_168 = vector.load %arg14[%get3A_166, %get3A_167] : memref<1x128xf32, #tpu.memory_space<vmem>>, vector<1x128xf32>
    %broadcast_in_dim3A_169 = arith.constant 1.000000e+00 : f32
    %broadcast_in_dim3A_170 = vector.broadcast %broadcast_in_dim3A_169 : f32 to vector<1x64xf32>
    %dot_general3A_171 = arith.constant dense<0.000000e+00> : vector<1x128xf32>
    %dot_general3A_172 = tpu.matmul %broadcast_in_dim3A_170, %add3A_162, %dot_general3A_171 {dimension_numbers = #tpu.dot_dimension_numbers<[1], [0], [0], [1], [0, 0, 1, 1], [], []>, precision = #tpu.contract_precision<fp32>, transpose_lhs_hint = false} : vector<1x64xf32>, vector<64x128xf32>, vector<1x128xf32> -> vector<1x128xf32>
    %mul3A_173 = arith.constant 1.562500e-02 : f32
    %mul3A_174 = vector.broadcast %mul3A_173 : f32 to vector<1x128xf32>
    %mul3A_175 = arith.mulf %dot_general3A_172, %mul3A_174 : vector<1x128xf32>
    %sub3A_176 = vector.broadcast %mul3A_175 : vector<1x128xf32> to vector<64x128xf32>
    %sub3A_177 = arith.subf %add3A_162, %sub3A_176 : vector<64x128xf32>
    %integer_pow3A_178 = arith.mulf %sub3A_177, %sub3A_177 : vector<64x128xf32>
    %broadcast_in_dim3A_179 = arith.constant 1.000000e+00 : f32
    %broadcast_in_dim3A_180 = vector.broadcast %broadcast_in_dim3A_179 : f32 to vector<1x64xf32>
    %dot_general3A_181 = arith.constant dense<0.000000e+00> : vector<1x128xf32>
    %dot_general3A_182 = tpu.matmul %broadcast_in_dim3A_180, %integer_pow3A_178, %dot_general3A_181 {dimension_numbers = #tpu.dot_dimension_numbers<[1], [0], [0], [1], [0, 0, 1, 1], [], []>, precision = #tpu.contract_precision<fp32>, transpose_lhs_hint = false} : vector<1x64xf32>, vector<64x128xf32>, vector<1x128xf32> -> vector<1x128xf32>
    %mul3A_183 = arith.constant 1.562500e-02 : f32
    %mul3A_184 = vector.broadcast %mul3A_183 : f32 to vector<1x128xf32>
    %mul3A_185 = arith.mulf %dot_general3A_182, %mul3A_184 : vector<1x128xf32>
    %sub3A_186 = vector.broadcast %mul3A_175 : vector<1x128xf32> to vector<64x128xf32>
    %sub3A_187 = arith.subf %add3A_162, %sub3A_186 : vector<64x128xf32>
    %add3A_188 = arith.constant 9.99999974E-6 : f32
    %add3A_189 = vector.broadcast %add3A_188 : f32 to vector<1x128xf32>
    %add3A_190 = arith.addf %mul3A_185, %add3A_189 : vector<1x128xf32>
    %rsqrt3A_191 = math.rsqrt %add3A_190 : vector<1x128xf32>
    %mul3A_192 = arith.constant 5.000000e-01 : f32
    %mul3A_193 = vector.broadcast %mul3A_192 : f32 to vector<1x128xf32>
    %mul3A_194 = arith.mulf %mul3A_193, %add3A_190 : vector<1x128xf32>
    %mul3A_195 = arith.mulf %mul3A_194, %rsqrt3A_191 : vector<1x128xf32>
    %mul3A_196 = arith.mulf %mul3A_195, %rsqrt3A_191 : vector<1x128xf32>
    %sub3A_197 = arith.constant 1.500000e+00 : f32
    %sub3A_198 = vector.broadcast %sub3A_197 : f32 to vector<1x128xf32>
    %sub3A_199 = arith.subf %sub3A_198, %mul3A_196 : vector<1x128xf32>
    %mul3A_200 = arith.mulf %rsqrt3A_191, %sub3A_199 : vector<1x128xf32>
    %mul3A_201 = arith.constant 5.000000e-01 : f32
    %mul3A_202 = vector.broadcast %mul3A_201 : f32 to vector<1x128xf32>
    %mul3A_203 = arith.mulf %mul3A_202, %add3A_190 : vector<1x128xf32>
    %mul3A_204 = arith.mulf %mul3A_203, %mul3A_200 : vector<1x128xf32>
    %mul3A_205 = arith.mulf %mul3A_204, %mul3A_200 : vector<1x128xf32>
    %sub3A_206 = arith.constant 1.500000e+00 : f32
    %sub3A_207 = vector.broadcast %sub3A_206 : f32 to vector<1x128xf32>
    %sub3A_208 = arith.subf %sub3A_207, %mul3A_205 : vector<1x128xf32>
    %mul3A_209 = arith.mulf %mul3A_200, %sub3A_208 : vector<1x128xf32>
    %mul3A_210 = vector.broadcast %mul3A_209 : vector<1x128xf32> to vector<64x128xf32>
    %mul3A_211 = arith.mulf %sub3A_187, %mul3A_210 : vector<64x128xf32>
    %mul3A_212 = vector.broadcast %get3A_165 : vector<1x128xf32> to vector<64x128xf32>
    %mul3A_213 = arith.mulf %mul3A_211, %mul3A_212 : vector<64x128xf32>
    %add3A_214 = vector.broadcast %get3A_168 : vector<1x128xf32> to vector<64x128xf32>
    %add3A_215 = arith.addf %mul3A_213, %add3A_214 : vector<64x128xf32>
    %max3A_216 = arith.constant 0.000000e+00 : f32
    %max3A_217 = vector.broadcast %max3A_216 : f32 to vector<64x128xf32>
    %max3A_218 = arith.maximumf %add3A_215, %max3A_217 : vector<64x128xf32>
    %get3A_219 = arith.constant 0 : index
    %get3A_220 = arith.constant 0 : index
    %get3A_221 = vector.load %arg15[%get3A_219, %get3A_220] : memref<128x64xf32, #tpu.memory_space<vmem>>, vector<128x64xf32>
    %dot_general3A_222 = arith.constant dense<0.000000e+00> : vector<64x64xf32>
    %dot_general3A_223 = tpu.matmul %max3A_218, %get3A_221, %dot_general3A_222 {dimension_numbers = #tpu.dot_dimension_numbers<[1], [0], [0], [1], [0, 0, 1, 1], [], []>, transpose_lhs_hint = false} : vector<64x128xf32>, vector<128x64xf32>, vector<64x64xf32> -> vector<64x64xf32>
    %get3A_224 = arith.constant 0 : index
    %get3A_225 = arith.constant 0 : index
    %get3A_226 = vector.load %arg16[%get3A_224, %get3A_225] : memref<1x64xf32, #tpu.memory_space<vmem>>, vector<1x64xf32>
    %add3A_227 = vector.broadcast %get3A_226 : vector<1x64xf32> to vector<64x64xf32>
    %add3A_228 = arith.addf %dot_general3A_223, %add3A_227 : vector<64x64xf32>
    %max3A_229 = arith.constant 0.000000e+00 : f32
    %max3A_230 = vector.broadcast %max3A_229 : f32 to vector<64x64xf32>
    %max3A_231 = arith.maximumf %add3A_228, %max3A_230 : vector<64x64xf32>
    %get3A_232 = arith.constant 0 : index
    %get3A_233 = arith.constant 0 : index
    %get3A_234 = vector.load %arg17[%get3A_232, %get3A_233] : memref<64x1xf32, #tpu.memory_space<vmem>>, vector<64x1xf32>
    %dot_general3A_235 = arith.constant dense<0.000000e+00> : vector<64x1xf32>
    %dot_general3A_236 = tpu.matmul %max3A_231, %get3A_234, %dot_general3A_235 {dimension_numbers = #tpu.dot_dimension_numbers<[1], [0], [0], [1], [0, 0, 1, 1], [], []>, transpose_lhs_hint = false} : vector<64x64xf32>, vector<64x1xf32>, vector<64x1xf32> -> vector<64x1xf32>
    %get3A_237 = arith.constant 0 : index
    %get3A_238 = arith.constant 0 : index
    %get3A_239 = vector.load %arg18[%get3A_237, %get3A_238] : memref<1x1xf32, #tpu.memory_space<vmem>>, vector<1x1xf32>
    %add3A_240 = vector.broadcast %get3A_239 : vector<1x1xf32> to vector<64x1xf32>
    %add3A_241 = arith.addf %dot_general3A_236, %add3A_240 : vector<64x1xf32>
    %swap3A = arith.constant 0 : index
    %swap3A_242 = arith.constant 0 : index
    %swap3A_243 = vector.load %arg19[%swap3A, %swap3A_242] : memref<64x1xf32, #tpu.memory_space<vmem>>, vector<64x1xf32>
    tpu.vector_store %arg19[%swap3A, %swap3A_242], %add3A_241 {strides = array<i32>} : memref<64x1xf32, #tpu.memory_space<vmem>>, vector<64x1xf32>,
    return
  }
}

</mosaic_0001>

<sc_bundles>
// kernel: kernel.11.cloned.1.call-start
scs
__scs_entry_jumppad:
0x0: {  	(pc) =	sbr.rel $0x88, $3  }
0x1: {  	(tag) =	ssettag $0x0;
	lr =	simm.s32 $0x1  }
0x2: {  	[smem:$0x3F8A] =	sst lr;
	_ =	strace $0xD0000000  }
0x3: {  	_ = 	snop  }
0x4: {  	_ = 	snop  }
0x5: {  	_ = 	snop  }
0x6: {  	_ = 	snop  }
0x7: {  	_ = 	snop  }
__scs_overlays_trampoline_lowered:
0x8: {  	[smem:$0x3F99] =	sst s0  }
0x9: {  	[smem:$0x3F9A] =	sst s1  }
0xa: {  	[smem:$0x3F9B] =	sst s2  }
0xb: {  	[smem:$0x3F9C] =	sst s3  }
0xc: {  	[smem:$0x3F9D] =	sst s4  }
0xd: {  	[smem:$0x3F9E] =	sst s5  }
0xe: {  	[smem:$0x3F9F] =	sst s6  }
0xf: {  	[smem:$0x3FA0] =	sst s7  }
0x10: {  	[smem:$0x3FA1] =	sst s8  }
0x11: {  	[smem:$0x3FA2] =	sst s9;
	s0 =	simm.s32 @!p0 $0x0  }
0x12: {  	s1 =	sld [smem:$0x3F88];
	s0 =	simm.s32 @p0 $0x1  }
0x13: {  	[smem:$0x3FA3] =	sst s0;
	s0 =	simm.s32 @!p1 $0x0  }
0x14: {  	s2 =	sld [smem:$0x3F87];
	s0 =	simm.s32 @p1 $0x1  }
0x15: {  	[smem:$0x3FA4] =	sst s0;
	s0 =	simm.s32 @!p2 $0x0  }
0x16: {  	s3 =	sld [smem:$0x3FDB];
	s0 =	simm.s32 @p2 $0x1  }
0x17: {  	s4 =	simm.s32 $0x1BF5;
	[smem:$0x3FA6] =	sst s0  }
0x18: {  	s0 =	sld [smem:$0x3F89];
	_ =	swait.ge [sflag:s4], $0x0  }
0x19: {  	s7 =	sld [smem:$0x3F8A]  }
0x1a: {  	s8 =	sadd.s32 $0xFFFFE003, lr  }
0x1b: {  	s9 =	sadd.s32 $0xFFFFFEF7, lr;
	s5 =	simm.s32 $0xFFFFFFFF;
	p2 =	slt.u32 s8, $0xFFFFF086  }
0x1c: {  	p1 =	slt.u32 s9, $0xF7A;
	s5 =	simm.s32 @!p2 $0x0  }
0x1d: {  	s5 =	simm.s32 @p1 $0x1;
	p0 =	seq.s32 s7, s2  }
0x1e: {  	s7 =	smul.u32 @!p0 $0xF7A, s2;
	p2 =	seq.s32 @!p0 s5, $0x0  }
0x1f: {  	s9 =	smul.u32 $0xF7A, s1;
	s8 =	simm.s32 @!p0 $0x1BF5;
	p2 =	por !p2, p0  }
0x20: {  	[sflag:s8] =	ssyncset.s32 @!p0 $0xFFFFF086;
	s6 =	sadd.s32 @!p0 s3, s7;
	s7 =	simm.s32 @!p0 $0x108  }
0x21: {  	s3 =	sadd.s32 s3, s9;
	s6 =	sadd.s32 @!p0 $0x88, s6;
	s7 =	simm.s32 @p2 $0x1082  }
0x22: {  	[simem:s7], [sflag:s8] =	dma.local @!p0 [hbm:s6], $0xF7A  }
0x23: {  	s9 =	sor.u32 $0xD0000000, s2;
	s6 =	simm.s32 $0x108;
	_ =	swait.ge @!p0 [sflag:s8], $0x0  }
0x24: {  	s3 =	sadd.s32 $0x88, s3;
	s6 =	simm.s32 @!p1 $0x1082;
	[sflag:s4] =	ssyncset.s32 $0xFFFFF086  }
0x25: {  	[simem:s6], [sflag:s4] =	dma.local [hbm:s3], $0xF7A  }
0x26: {  	[smem:$0x3F8A] =	sst s1;
	(tag) =	ssettag s2;
	_ =	strace s9  }
0x27: {  	s1 =	sld [smem:$0x3F9A]  }
0x28: {  	s2 =	sld [smem:$0x3F9B]  }
0x29: {  	s4 =	sld [smem:$0x3F9D]  }
0x2a: {  	p0 =	seq.s32 s5, $0x0;
	s5 =	sld [smem:$0x3F9E]  }
0x2b: {  	s6 =	sld [smem:$0x3F9F]  }
0x2c: {  	s7 =	sld [smem:$0x3FA0]  }
0x2d: {  	s3 =	simm.s32 $0x108;
	s8 =	sld [smem:$0x3FA1]  }
0x2e: {  	s3 =	simm.s32 @!p0 $0x1082;
	s9 =	sld [smem:$0x3FA2]  }
0x2f: {  	lr =	sadd.s32 s0, s3;
	s0 =	sld [smem:$0x3F99]  }
0x30: {  	s3 =	sld [smem:$0x3F9C]  }
0x31: {  	[smem:$0x3FA5] =	sst s10  }
0x32: {  	s10 =	sld [smem:$0x3FA3];
	_ =	sdelay $0x3  }
0x33: {  	p0 =	seq.s32 s10, $0x1;
	s10 =	sld [smem:$0x3FA5];
	_ =	sdelay $0x3  }
0x34: {  	[smem:$0x3FA5] =	sst s10  }
0x35: {  	s10 =	sld [smem:$0x3FA4];
	_ =	sdelay $0x3  }
0x36: {  	p1 =	seq.s32 s10, $0x1;
	s10 =	sld [smem:$0x3FA5];
	_ =	sdelay $0x3  }
0x37: {  	[smem:$0x3FA5] =	sst s10  }
0x38: {  	s10 =	sld [smem:$0x3FA6]  }
0x39: {  	_ = 	snop;
	(pc) =	sbr.ind lr, $3  }
0x3a: {  	_ = 	snop  }
0x3b: {  	_ = 	snop  }
0x3c: {  	p2 =	seq.s32 s10, $0x1;
	s10 =	sld [smem:$0x3FA5]  }
0x3d: {  	_ =	shalt  }
0x3e: {  	_ =	shalt  }
0x3f: {  	_ =	shalt  }
0x40: {  	_ =	shalt  }
0x41: {  	_ =	shalt  }
0x42: {  	_ =	shalt  }
0x43: {  	_ =	shalt  }
0x44: {  	_ =	shalt  }
0x45: {  	_ =	shalt  }
0x46: {  	_ =	shalt  }
0x47: {  	_ =	shalt  }
0x48: {  	_ =	shalt  }
0x49: {  	_ =	shalt  }
0x4a: {  	_ =	shalt  }
0x4b: {  	_ =	shalt  }
0x4c: {  	_ =	shalt  }
0x4d: {  	_ =	shalt  }
0x4e: {  	_ =	shalt  }
0x4f: {  	_ =	shalt  }
0x50: {  	_ =	shalt  }
0x51: {  	_ =	shalt  }
0x52: {  	_ =	shalt  }
0x53: {  	_ =	shalt  }
0x54: {  	_ =	shalt  }
0x55: {  	_ =	shalt  }
0x56: {  	_ =	shalt  }
0x57: {  	_ =	shalt  }
0x58: {  	_ =	shalt  }
0x59: {  	_ =	shalt  }
0x5a: {  	_ =	shalt  }
0x5b: {  	_ =	shalt  }
0x5c: {  	_ =	shalt  }
0x5d: {  	_ =	shalt  }
0x5e: {  	_ =	shalt  }
0x5f: {  	_ =	shalt  }
0x60: {  	_ =	shalt  }
0x61: {  	_ =	shalt  }
0x62: {  	_ =	shalt  }
0x63: {  	_ =	shalt  }
0x64: {  	_ =	shalt  }
0x65: {  	_ =	shalt  }
0x66: {  	_ =	shalt  }
0x67: {  	_ =	shalt  }
0x68: {  	_ =	shalt  }
0x69: {  	_ =	shalt  }
0x6a: {  	_ =	shalt  }
0x6b: {  	_ =	shalt  }
0x6c: {  	_ =	shalt  }
0x6d: {  	_ =	shalt  }
0x6e: {  	_ =	shalt  }
0x6f: {  	_ =	shalt  }
0x70: {  	_ =	shalt  }
0x71: {  	_ =	shalt  }
0x72: {  	_ =	shalt  }
0x73: {  	_ =	shalt  }
0x74: {  	_ =	shalt  }
0x75: {  	_ =	shalt  }
0x76: {  	_ =	shalt  }
0x77: {  	_ =	shalt  }
0x78: {  	_ =	shalt  }
0x79: {  	_ =	shalt  }
0x7a: {  	_ =	shalt  }
0x7b: {  	_ =	shalt  }
0x7c: {  	_ =	shalt  }
0x7d: {  	_ =	shalt  }
0x7e: {  	_ =	shalt  }
0x7f: {  	_ =	shalt  }
0x80: {  	_ =	shalt  }
0x81: {  	_ =	shalt  }
0x82: {  	_ =	shalt  }
0x83: {  	_ =	shalt  }
0x84: {  	_ =	shalt  }
0x85: {  	_ =	shalt  }
0x86: {  	_ =	shalt  }
0x87: {  	_ =	shalt  }
.Lfunc_end0:
.L_simem_size_0:
called_computation.1_lowered:
.L_overlay_start_0:
0x88: {  	s2 =	sld [smem:$0x3FD9]  }
0x89: {  	s3 =	sld [smem:$0x3FFE];
	_ =	sdelay $0x1  }
0x8a: {  	s1 =	srdreg.scid  }
0x8b: {  	s0 =	sand.u32 $0x1, s1  }
0x8c: {  	s16 =	sshll.u32 s0, $0xA;
	s2 =	sadd.s32 s3, s2  }
0x8d: {  	s2 =	sadd.s32 s2, s16  }
0x8e: {  	[smem:$0x3FB1] =	sst s2  }
0x8f: {  	_ = 	snop  }
0x90: {  	(tm) =	ssettm $0x1  }
0x91: {  	s17 =	sld [smem:$0x3FFB];
	_ =	sdelay $0x3  }
0x92: {  	_ =	strace s17  }
0x93: {  	s2 =	sld [smem:$0x3FFC];
	_ =	sdelay $0x3  }
0x94: {  	_ =	strace s2  }
0x95: {  	s2 =	sld [smem:$0x3FFD];
	_ =	sdelay $0x3  }
0x96: {  	_ =	strace s2  }
0x97: {  	_ =	strace $0x8FFFFFFF  }
0x98: {  	s18 =	sld [smem:$0x3FDB];
	_ =	sdelay $0x1  }
0x99: {  	s19 =	simm.s32 $_scs_section_size  }
0x9a: {  	s4 =	simm.s32 $_size__tile_overlayer_lowered;
	s5 =	simm.s32 $_tile_overlayer_lowered  }
0x9b: {  	s22 =	simm.s32 $0x1BFF;
	s21 =	sshll.u32 s5, $0x1;
	s2 =	sadd.s32 s19, s18  }
0x9c: {  	s6 =	simm.s32 $0x0;
	s20 =	sshll.u32 s4, $0x1;
	s4 =	sadd.s32 s21, s2  }
0x9d: {  	[timem:s6], [sflag:s22] =	dma.local [hbm:s4], s20  }
0x9e: {  	_ =	swait.ge [sflag:s22], s20  }
0x9f: {  	s3 =	ssub.s32 $0x0, s20;
	[sflag:s22] =	ssyncset.done $0x0  }
0xa0: {  	[sflag:s22] =	ssyncadd.s32 s3;
	_ =	sdelay $0x1  }
0xa1: {  	s23 =	simm.s32 $0x1B8B  }
0xa2: {  	_ =	swait.ge [sflag:s23], $0x1  }
0xa3: {  	[sflag:s23] =	ssyncset.done $0x0  }
0xa4: {  	s25 =	simm.s32 $0x1B8E;
	s24 =	sld [smem:$0x3FFE];
	[sflag:s23] =	ssyncadd.s32 $0xFFFFFFFF  }
0xa5: {  	s26 =	simm.s32 $execute0_lowered;
	[smem:$0x3FD2] =	sst s25  }
0xa6: {  	s4 =	sshll.u32 s26, $0x1;
	_ =	strace $0x80000049;
	[dreg:$0x1] =	wrdreg $0xFFFFFFFF  }
0xa7: {  	s28 =	simm.s32 $_size_execute0_lowered;
	s2 =	sadd.s32 s2, s4;
	[dreg:$0x0] =	wrdreg $0x0  }
0xa8: {  	s4 =	sshll.u32 s28, $0x1;
	[dreg:$0x2] =	wrdreg s2  }
0xa9: {  	[dreg:$0x3] =	wrdreg s4  }
0xaa: {  	[dreg:$0x4] =	wrdreg $0xC0  }
0xab: {  	_ =	task [dreg:s6], $0x5FFFF  }
0xac: {  	[dreg:$0x1] =	wrdreg $0xFFFFFFFF  }
0xad: {  	[dreg:$0x0] =	wrdreg $0x60  }
0xae: {  	[dreg:$0x2] =	wrdreg s24  }
0xaf: {  	[dreg:$0x3] =	wrdreg $0x90000  }
0xb0: {  	[dreg:$0x4] =	wrdreg $0x9  }
0xb1: {  	_ =	task.clear_ibuf [dreg:s6], $0x5FFFF;
	_ =	strace $0x90000049  }
0xb2: {  	s29 =	simm.s32 $0x9;
	_ =	strace $0x8000004B  }
0xb3: {  	_ =	swait.ge [sflag:s29], $0x1  }
0xb4: {  	[sflag:s29] =	ssyncadd.s32 $0xFFFFFFFF  }
0xb5: {  	_ =	strace $0x9000004B  }
0xb6: {  	_ =	sfence  }
0xb7: {  	s30 =	sld [smem:$0x0];
	_ =	sdelay $0x2  }
0xb8: {  	s31 =	sshll.u32 s1, $0xD;
	s1 =	sshrl.u32 s1, $0x2  }
0xb9: {  	s3 =	sand.u32 $0x4000, s31;
	s1 =	sadd.s32 s1, s30  }
0xba: {  	s0 =	sor.u32 s3, s0;
	s1 =	sshll.u32 s1, $0x11  }
0xbb: {  	s0 =	sor.u32 s1, s0  }
0xbc: {  	s0 =	sadd.s32 $0x8F2B, s0  }
0xbd: {  	[sflag:s0] =	ssyncadd.remote.s32 $0x1  }
0xbe: {  	_ =	sfence.sel $0xFFFF  }
0xbf: {  	[dreg:$0x0] =	wrdreg $0xFFFFFFFF;
	(pc) =	sbr.abs _section_cstart, $3  }
0xc0: {  	[dreg:$0x1] =	wrdreg $0xFFFFFFFF  }
0xc1: {  	_ =	task.clear_ibuf [dreg:s6], $0x2FFFF;
	_ =	strace $0x9FFFFFFF  }
0xc2: {  	(tm) =	ssettm $0x7FFFFFFF  }
0xc3: {  	_ =	shalt  }
tec
execute0_lowered:
.L_overlay_start_1:
0x0: {  	(tag) =	ssettag $0x1  }
0x1: {  	s6 =	rddreg [dreg:$0x0]  }
0x2: {  	s0 =	srdreg.scid;
	s2 =	rddreg [dreg:$0x1]  }
0x3: {  	s3 =	simm.s32 $0x0;
	s14 =	simm.s32 $0x5000;
	s15 =	simm.s32 $0x2  }
0x4: {  	s16 =	simm.s32 $0x2800;
	s17 =	simm.s32 $0x80;
	s5 =	sand.u32 $0x1, s0  }
0x5: {  	s18 =	simm.s32 $0x1;
	s0 =	stileid.u32;
	s8 =	smul.u32 $0x140000, s5  }
0x6: {  	s21 =	simm.s32 $0x0;
	[smem:$0x7FF] =	sst s3;
	s9 =	smul.u32 $0x14000, s0  }
0x7: {  	s4 =	sadd.s32 $0xDE00, s6;
	s1 =	sshll.u32 s5, $0x4;
	s10 =	smul.u32 $0x50000, s0  }
0x8: {  	s29 =	ssub.s32 $0x2, s5;
	s19 =	sshll.u32 s0, $0x6;
	s1 =	sor.u32 s0, s1  }
0x9: {  	s31 =	sshrl.u32 s29, $0x1;
	s19 =	sor.u32 $0x1C02, s19;
	s7 =	smul.u32 $0x500, s1  }
0xa: {  	s1 =	rddreg [dreg:$0x2];
	_ =	strace $0x8000004A;
	s30 =	sshrl.u32 s10, $0x2  }
0xb: {  	s28 =	sadd.s32 s9, s8;
	s13 =	ssub.s32 s29, s31;
	s5 =	sadd.s32 s30, s2  }
0xc: {  	s13 =	smax.u32 s13, $0x1;
	s11 =	sadd.s32 s7, s6;
	s7 =	sshrl.u32 s28, $0x3  }
0xd: {  	s8 =	sadd.s32 $0xC000, s5;
	s9 =	sadd.s32 $0x10000, s5;
	s20 =	sshrl.u32 s5, $0x3  }
0xe: {  	s12 =	sadd.s32 s7, s6;
	s6 =	sadd.s32 $0x4000, s5;
	s7 =	sadd.s32 $0x8000, s5  }
0xf: {  	v0 =	vimm.f32 $0.0e+00;
	s10 =	sadd.s32 $0x5DE00, s11;
	s11 =	sadd.s32 $0x3E00, s11;
	s12 =	sadd.s32 $0x67E00, s12  }
.LBB2_1:
0x10: {  	s22 =	sand.u32 $0xFE00, s3  }
0x11: {  	s23 =	sand.u32 $0x70, s3;
	s24 =	sshrl.u32 s22, $0x2  }
0x12: {  	s22 =	simm.s32 $0x40;
	s24 =	sor.u32 s23, s24;
	s23 =	simm.s32 $0x0  }
.LBB2_2:
0x13: {  	p0 =	sne.s32 s22, $0xFFC0  }
0x14: {  	[tilespmem:s24+$0x5000] =	vst v0;
	s23 =	sadd.s32 $0x10, s23;
	s24 =	smov.u32 s22;
	s22 =	sadd.s32 $0x40, s22  }
.Ltmp0:
0x15: {  	(pc) =	sbr.rel @p0 .LBB2_2-.Ltmp0, $4  }
0x16: {  	_ = 	snop  }
0x17: {  	s24 =	sand.u32 $0xFE00, s24  }
0x18: {  	s25 =	sand.u32 $0x70, s23;
	s24 =	sshrl.u32 s24, $0x2  }
0x19: {  	s24 =	sor.u32 s25, s24  }
0x1a: {  	[tilespmem:s24+$0x5000] =	vst v0  }
0x1b: {  	[spmem:s5] =	stream.linear.scatter [tilespmem:s14], [sflag:$0x2], $0x4000, $0x38;
	[tilespmem:$0x1D000] =	vst v63  }
0x1c: {  	_ =	swait.ge [sflag:s15], $0x4000  }
0x1d: {  	[sflag:s15] =	ssyncset.done $0x0  }
0x1e: {  	[sflag:s15] =	ssyncadd.s32 $0xFFFFC000  }
0x1f: {  	[spmem:s6] =	stream.linear.scatter [tilespmem:s14], [sflag:$0x2], $0x4000, $0x38;
	[tilespmem:$0x1D000] =	vst v63  }
0x20: {  	_ =	swait.ge [sflag:s15], $0x4000  }
0x21: {  	[sflag:s15] =	ssyncset.done $0x0  }
0x22: {  	[sflag:s15] =	ssyncadd.s32 $0xFFFFC000  }
0x23: {  	[spmem:s7] =	stream.linear.scatter [tilespmem:s14], [sflag:$0x2], $0x4000, $0x38;
	[tilespmem:$0x1D000] =	vst v63  }
0x24: {  	_ =	swait.ge [sflag:s15], $0x4000  }
0x25: {  	[sflag:s15] =	ssyncset.done $0x0  }
0x26: {  	[sflag:s15] =	ssyncadd.s32 $0xFFFFC000  }
0x27: {  	[spmem:s8] =	stream.linear.scatter [tilespmem:s14], [sflag:$0x2], $0x4000, $0x38;
	[tilespmem:$0x1D000] =	vst v63  }
0x28: {  	_ =	swait.ge [sflag:s15], $0x4000  }
0x29: {  	[sflag:s15] =	ssyncset.done $0x0  }
0x2a: {  	[sflag:s15] =	ssyncadd.s32 $0xFFFFC000  }
0x2b: {  	[spmem:s9] =	stream.linear.scatter [tilespmem:s14], [sflag:$0x2], $0x4000, $0x38;
	[tilespmem:$0x1D000] =	vst v63  }
0x2c: {  	_ =	swait.ge [sflag:s15], $0x4000  }
0x2d: {  	[sflag:s15] =	ssyncset.done $0x0  }
0x2e: {  	s22 =	simm.s32 $0x0;
	[sflag:s15] =	ssyncadd.s32 $0xFFFFC000  }
0x2f: {  	[tilespmem:s22], [sflag:$0x2] =	stream.linear.gather [hbm4b:s10+s22], $0x2780, $0x38;
	[tilespmem:$0x1D000] =	vst v63  }
0x30: {  	_ =	swait.ge [sflag:s15], $0x2780  }
0x31: {  	[sflag:s15] =	ssyncset.done $0x0  }
0x32: {  	[sflag:s15] =	ssyncadd.s32 $0xFFFFD880  }
0x33: {  	[tilespmem:s16], [sflag:$0x2] =	stream.linear.gather [hbm4b:s11+s22], $0x2780, $0x38;
	[tilespmem:$0x1D000] =	vst v63  }
0x34: {  	_ =	swait.ge [sflag:s15], $0x2780  }
0x35: {  	[sflag:s15] =	ssyncset.done $0x0  }
0x36: {  	[sflag:s15] =	ssyncadd.s32 $0xFFFFD880  }
0x37: {  	s30 =	simm.s32 $0x0;
	[bflag:$0x0] =	sbarrier.arrive $0xFFFF  }
0x38: {  	[tilespmem:s14], [sflag:$0x1] =	stream.indirect.gather [hbm4b:s4+s17], $0x80, s30, s17, $0xb8;
	[tilespmem:$0x1D000] =	vst v63  }
0x39: {  	_ =	swait.ge [sflag:s18], $0x4000  }
0x3a: {  	[sflag:s18] =	ssyncset.done $0x0  }
0x3b: {  	s31 =	simm.s32 $0x2800;
	[sflag:s18] =	ssyncadd.s32 $0xFFFFC000  }
0x3c: {  	[spmem:s2] =	stream.indirect.scatter.add.f32 [tilespmem:s14], [sflag:$0x2], $0x80, s31, s17, $0xb8;
	[tilespmem:$0x1D000] =	vst v63  }
0x3d: {  	_ =	swait.ge [sflag:s15], $0x4000  }
0x3e: {  	s23 =	simm.s32 $0x400;
	s22 =	simm.s32 $0x200;
	[sflag:s15] =	ssyncset.done $0x0  }
.LBB2_4:
0x3f: {  	s24 =	sshra.s32 s22, $0x2  }
0x40: {  	[sflag:s15] =	ssyncadd.s32 $0xFFFFC000;
	s22 =	smov.u32 s23;
	s25 =	sadd.s32 $0x200, s23  }
0x41: {  	[tilespmem:s14], [sflag:$0x1] =	stream.indirect.gather [hbm4b:s4+s17], $0x80, s24, s17, $0xb8;
	[tilespmem:$0x1D000] =	vst v63  }
0x42: {  	p0 =	sne.s32 s23, $0x9C00;
	_ =	swait.ge [sflag:s18], $0x4000  }
.Ltmp1:
0x43: {  	[sflag:s18] =	ssyncset.done $0x0;
	(pc) =	sbr.rel @p0 .LBB2_4-.Ltmp1, $4  }
0x44: {  	s23 =	sadd.s32 $0x2800, s24;
	[sflag:s18] =	ssyncadd.s32 $0xFFFFC000  }
0x45: {  	[spmem:s2] =	stream.indirect.scatter.add.f32 [tilespmem:s14], [sflag:$0x2], $0x80, s23, s17, $0xb8;
	[tilespmem:$0x1D000] =	vst v63  }
0x46: {  	_ =	swait.ge [sflag:s15], $0x4000  }
0x47: {  	s23 =	smov.u32 s25;
	[sflag:s15] =	ssyncset.done $0x0  }
0x48: {  	s22 =	sshra.s32 s22, $0x2;
	[sflag:s15] =	ssyncadd.s32 $0xFFFFC000  }
0x49: {  	[tilespmem:s14], [sflag:$0x1] =	stream.indirect.gather [hbm4b:s4+s17], $0x80, s22, s17, $0xb8;
	[tilespmem:$0x1D000] =	vst v63  }
0x4a: {  	_ =	swait.ge [sflag:s18], $0x4000  }
0x4b: {  	[sflag:s18] =	ssyncset.done $0x0  }
0x4c: {  	s22 =	sadd.s32 $0x2800, s22;
	[sflag:s18] =	ssyncadd.s32 $0xFFFFC000  }
0x4d: {  	[spmem:s2] =	stream.indirect.scatter.add.f32 [tilespmem:s14], [sflag:$0x2], $0x80, s22, s17, $0xb8;
	[tilespmem:$0x1D000] =	vst v63  }
0x4e: {  	_ =	swait.ge [sflag:s15], $0x4000  }
0x4f: {  	s21 =	sadd.s32 $0x1, s21;
	[sflag:s15] =	ssyncset.done $0x0  }
0x50: {  	p0 =	sne.s32 s21, s13;
	[sflag:s15] =	ssyncadd.s32 $0xFFFFC000  }
.Ltmp2:
0x51: {  	[bflag:$0x0] =	sbarrier.arrive $0xFFFF;
	(pc) =	sbr.rel @p0 .LBB2_1-.Ltmp2, $4  }
0x52: {  	[hbm:s12], [sflag:s19] =	dma.local [spmem:s20], $0x2800  }
0x53: {  	_ =	swait.ge [sflag:s15], $0x2800  }
0x54: {  	[sflag:s15] =	ssyncset.done $0x0  }
0x55: {  	[sflag:s15] =	ssyncadd.s32 $0xFFFFD800  }
0x56: {  	_ =	sfence.sel $0x180000  }
0x57: {  	[bflag:$0x0] =	sbarrier.arrive $0xFFFF  }
0x58: {  	p0 =	sne.s32 s0, $0x0;
	_ =	strace $0x9000004A  }
0x59: {  	s0 =	sadd.s32 @!p0 $0x100000, s1;
	[bflag:$0x2] =	sbarrier.arrive $0xFFFF  }
0x5a: {  	[sflag:s0] =	ssyncadd.tile.s32 @!p0 $0x1;
	_ =	shalt  }
.Lfunc_end2:
_tile_overlayer_lowered:
.L_overlay_start_2:
0x5b: {  	(tag) =	ssettag $0x2  }
0x5c: {  	s0 =	rddreg [dreg:$0x0];
	s2 =	stileid.u32  }
0x5d: {  	s1 =	rddreg [dreg:$0x1];
	p0 =	sne.s32 s2, $0x0  }
0x5e: {  	s3 =	rddreg [dreg:$0x2];
	[bflag:$0x3] =	sbarrier.arrive $0xFFFF;
	s2 =	simm.s32 @!p0 $0x1C02  }
0x5f: {  	[timem:s3], [sflag:s2] =	dma.local @!p0 [hbm:s0], s1  }
0x60: {  	s0 =	simm.s32 @!p0 $0x2  }
0x61: {  	_ =	swait.ge @!p0 [sflag:s0], s1  }
0x62: {  	s1 =	ssub.s32 @!p0 $0x0, s1;
	[sflag:s0] =	ssyncset.done @!p0 $0x0  }
0x63: {  	[sflag:s0] =	ssyncadd.s32 @!p0 s1  }
0x64: {  	[bflag:$0x3] =	sbarrier.arrive $0xFFFF  }
0x65: {  	_ =	shalt  }

// kernel: kernel.14.cloned.1.call-start
scs
__scs_entry_jumppad:
0x0: {  	(pc) =	sbr.rel $0x88, $3  }
0x1: {  	(tag) =	ssettag $0x0;
	lr =	simm.s32 $0x1  }
0x2: {  	[smem:$0x3F8A] =	sst lr;
	_ =	strace $0xD0000000  }
0x3: {  	_ = 	snop  }
0x4: {  	_ = 	snop  }
0x5: {  	_ = 	snop  }
0x6: {  	_ = 	snop  }
0x7: {  	_ = 	snop  }
__scs_overlays_trampoline_lowered:
0x8: {  	[smem:$0x3F99] =	sst s0  }
0x9: {  	[smem:$0x3F9A] =	sst s1  }
0xa: {  	[smem:$0x3F9B] =	sst s2  }
0xb: {  	[smem:$0x3F9C] =	sst s3  }
0xc: {  	[smem:$0x3F9D] =	sst s4  }
0xd: {  	[smem:$0x3F9E] =	sst s5  }
0xe: {  	[smem:$0x3F9F] =	sst s6  }
0xf: {  	[smem:$0x3FA0] =	sst s7  }
0x10: {  	[smem:$0x3FA1] =	sst s8  }
0x11: {  	[smem:$0x3FA2] =	sst s9;
	s0 =	simm.s32 @!p0 $0x0  }
0x12: {  	s1 =	sld [smem:$0x3F88];
	s0 =	simm.s32 @p0 $0x1  }
0x13: {  	[smem:$0x3FA3] =	sst s0;
	s0 =	simm.s32 @!p1 $0x0  }
0x14: {  	s2 =	sld [smem:$0x3F87];
	s0 =	simm.s32 @p1 $0x1  }
0x15: {  	[smem:$0x3FA4] =	sst s0;
	s0 =	simm.s32 @!p2 $0x0  }
0x16: {  	s3 =	sld [smem:$0x3FDB];
	s0 =	simm.s32 @p2 $0x1  }
0x17: {  	s4 =	simm.s32 $0x1BF5;
	[smem:$0x3FA6] =	sst s0  }
0x18: {  	s0 =	sld [smem:$0x3F89];
	_ =	swait.ge [sflag:s4], $0x0  }
0x19: {  	s7 =	sld [smem:$0x3F8A]  }
0x1a: {  	s8 =	sadd.s32 $0xFFFFE003, lr  }
0x1b: {  	s9 =	sadd.s32 $0xFFFFFEF7, lr;
	s5 =	simm.s32 $0xFFFFFFFF;
	p2 =	slt.u32 s8, $0xFFFFF086  }
0x1c: {  	p1 =	slt.u32 s9, $0xF7A;
	s5 =	simm.s32 @!p2 $0x0  }
0x1d: {  	s5 =	simm.s32 @p1 $0x1;
	p0 =	seq.s32 s7, s2  }
0x1e: {  	s7 =	smul.u32 @!p0 $0xF7A, s2;
	p2 =	seq.s32 @!p0 s5, $0x0  }
0x1f: {  	s9 =	smul.u32 $0xF7A, s1;
	s8 =	simm.s32 @!p0 $0x1BF5;
	p2 =	por !p2, p0  }
0x20: {  	[sflag:s8] =	ssyncset.s32 @!p0 $0xFFFFF086;
	s6 =	sadd.s32 @!p0 s3, s7;
	s7 =	simm.s32 @!p0 $0x108  }
0x21: {  	s3 =	sadd.s32 s3, s9;
	s6 =	sadd.s32 @!p0 $0x88, s6;
	s7 =	simm.s32 @p2 $0x1082  }
0x22: {  	[simem:s7], [sflag:s8] =	dma.local @!p0 [hbm:s6], $0xF7A  }
0x23: {  	s9 =	sor.u32 $0xD0000000, s2;
	s6 =	simm.s32 $0x108;
	_ =	swait.ge @!p0 [sflag:s8], $0x0  }
0x24: {  	s3 =	sadd.s32 $0x88, s3;
	s6 =	simm.s32 @!p1 $0x1082;
	[sflag:s4] =	ssyncset.s32 $0xFFFFF086  }
0x25: {  	[simem:s6], [sflag:s4] =	dma.local [hbm:s3], $0xF7A  }
0x26: {  	[smem:$0x3F8A] =	sst s1;
	(tag) =	ssettag s2;
	_ =	strace s9  }
0x27: {  	s1 =	sld [smem:$0x3F9A]  }
0x28: {  	s2 =	sld [smem:$0x3F9B]  }
0x29: {  	s4 =	sld [smem:$0x3F9D]  }
0x2a: {  	p0 =	seq.s32 s5, $0x0;
	s5 =	sld [smem:$0x3F9E]  }
0x2b: {  	s6 =	sld [smem:$0x3F9F]  }
0x2c: {  	s7 =	sld [smem:$0x3FA0]  }
0x2d: {  	s3 =	simm.s32 $0x108;
	s8 =	sld [smem:$0x3FA1]  }
0x2e: {  	s3 =	simm.s32 @!p0 $0x1082;
	s9 =	sld [smem:$0x3FA2]  }
0x2f: {  	lr =	sadd.s32 s0, s3;
	s0 =	sld [smem:$0x3F99]  }
0x30: {  	s3 =	sld [smem:$0x3F9C]  }
0x31: {  	[smem:$0x3FA5] =	sst s10  }
0x32: {  	s10 =	sld [smem:$0x3FA3];
	_ =	sdelay $0x3  }
0x33: {  	p0 =	seq.s32 s10, $0x1;
	s10 =	sld [smem:$0x3FA5];
	_ =	sdelay $0x3  }
0x34: {  	[smem:$0x3FA5] =	sst s10  }
0x35: {  	s10 =	sld [smem:$0x3FA4];
	_ =	sdelay $0x3  }
0x36: {  	p1 =	seq.s32 s10, $0x1;
	s10 =	sld [smem:$0x3FA5];
	_ =	sdelay $0x3  }
0x37: {  	[smem:$0x3FA5] =	sst s10  }
0x38: {  	s10 =	sld [smem:$0x3FA6]  }
0x39: {  	_ = 	snop;
	(pc) =	sbr.ind lr, $3  }
0x3a: {  	_ = 	snop  }
0x3b: {  	_ = 	snop  }
0x3c: {  	p2 =	seq.s32 s10, $0x1;
	s10 =	sld [smem:$0x3FA5]  }
0x3d: {  	_ =	shalt  }
0x3e: {  	_ =	shalt  }
0x3f: {  	_ =	shalt  }
0x40: {  	_ =	shalt  }
0x41: {  	_ =	shalt  }
0x42: {  	_ =	shalt  }
0x43: {  	_ =	shalt  }
0x44: {  	_ =	shalt  }
0x45: {  	_ =	shalt  }
0x46: {  	_ =	shalt  }
0x47: {  	_ =	shalt  }
0x48: {  	_ =	shalt  }
0x49: {  	_ =	shalt  }
0x4a: {  	_ =	shalt  }
0x4b: {  	_ =	shalt  }
0x4c: {  	_ =	shalt  }
0x4d: {  	_ =	shalt  }
0x4e: {  	_ =	shalt  }
0x4f: {  	_ =	shalt  }
0x50: {  	_ =	shalt  }
0x51: {  	_ =	shalt  }
0x52: {  	_ =	shalt  }
0x53: {  	_ =	shalt  }
0x54: {  	_ =	shalt  }
0x55: {  	_ =	shalt  }
0x56: {  	_ =	shalt  }
0x57: {  	_ =	shalt  }
0x58: {  	_ =	shalt  }
0x59: {  	_ =	shalt  }
0x5a: {  	_ =	shalt  }
0x5b: {  	_ =	shalt  }
0x5c: {  	_ =	shalt  }
0x5d: {  	_ =	shalt  }
0x5e: {  	_ =	shalt  }
0x5f: {  	_ =	shalt  }
0x60: {  	_ =	shalt  }
0x61: {  	_ =	shalt  }
0x62: {  	_ =	shalt  }
0x63: {  	_ =	shalt  }
0x64: {  	_ =	shalt  }
0x65: {  	_ =	shalt  }
0x66: {  	_ =	shalt  }
0x67: {  	_ =	shalt  }
0x68: {  	_ =	shalt  }
0x69: {  	_ =	shalt  }
0x6a: {  	_ =	shalt  }
0x6b: {  	_ =	shalt  }
0x6c: {  	_ =	shalt  }
0x6d: {  	_ =	shalt  }
0x6e: {  	_ =	shalt  }
0x6f: {  	_ =	shalt  }
0x70: {  	_ =	shalt  }
0x71: {  	_ =	shalt  }
0x72: {  	_ =	shalt  }
0x73: {  	_ =	shalt  }
0x74: {  	_ =	shalt  }
0x75: {  	_ =	shalt  }
0x76: {  	_ =	shalt  }
0x77: {  	_ =	shalt  }
0x78: {  	_ =	shalt  }
0x79: {  	_ =	shalt  }
0x7a: {  	_ =	shalt  }
0x7b: {  	_ =	shalt  }
0x7c: {  	_ =	shalt  }
0x7d: {  	_ =	shalt  }
0x7e: {  	_ =	shalt  }
0x7f: {  	_ =	shalt  }
0x80: {  	_ =	shalt  }
0x81: {  	_ =	shalt  }
0x82: {  	_ =	shalt  }
0x83: {  	_ =	shalt  }
0x84: {  	_ =	shalt  }
0x85: {  	_ =	shalt  }
0x86: {  	_ =	shalt  }
0x87: {  	_ =	shalt  }
.Lfunc_end0:
.L_simem_size_0:
called_computation.2_lowered:
.L_overlay_start_0:
0x88: {  	s2 =	sld [smem:$0x3FD9]  }
0x89: {  	s3 =	sld [smem:$0x3FFE];
	_ =	sdelay $0x1  }
0x8a: {  	s1 =	srdreg.scid  }
0x8b: {  	s0 =	sand.u32 $0x1, s1  }
0x8c: {  	s16 =	sshll.u32 s0, $0xA;
	s2 =	sadd.s32 s3, s2  }
0x8d: {  	s2 =	sadd.s32 s2, s16  }
0x8e: {  	[smem:$0x3FB1] =	sst s2  }
0x8f: {  	_ = 	snop  }
0x90: {  	(tm) =	ssettm $0x1  }
0x91: {  	s17 =	sld [smem:$0x3FFB];
	_ =	sdelay $0x3  }
0x92: {  	_ =	strace s17  }
0x93: {  	s2 =	sld [smem:$0x3FFC];
	_ =	sdelay $0x3  }
0x94: {  	_ =	strace s2  }
0x95: {  	s2 =	sld [smem:$0x3FFD];
	_ =	sdelay $0x3  }
0x96: {  	_ =	strace s2  }
0x97: {  	_ =	strace $0x8FFFFFFF  }
0x98: {  	s18 =	sld [smem:$0x3FDB];
	_ =	sdelay $0x1  }
0x99: {  	s19 =	simm.s32 $_scs_section_size  }
0x9a: {  	s4 =	simm.s32 $_size__tile_overlayer_lowered;
	s5 =	simm.s32 $_tile_overlayer_lowered  }
0x9b: {  	s22 =	simm.s32 $0x1BFF;
	s21 =	sshll.u32 s5, $0x1;
	s2 =	sadd.s32 s19, s18  }
0x9c: {  	s6 =	simm.s32 $0x0;
	s20 =	sshll.u32 s4, $0x1;
	s4 =	sadd.s32 s21, s2  }
0x9d: {  	[timem:s6], [sflag:s22] =	dma.local [hbm:s4], s20  }
0x9e: {  	_ =	swait.ge [sflag:s22], s20  }
0x9f: {  	s3 =	ssub.s32 $0x0, s20;
	[sflag:s22] =	ssyncset.done $0x0  }
0xa0: {  	[sflag:s22] =	ssyncadd.s32 s3;
	_ =	sdelay $0x1  }
0xa1: {  	s23 =	simm.s32 $0x1B8B  }
0xa2: {  	_ =	swait.ge [sflag:s23], $0x1  }
0xa3: {  	[sflag:s23] =	ssyncset.done $0x0  }
0xa4: {  	s25 =	simm.s32 $0x1B8E;
	s24 =	sld [smem:$0x3FFE];
	[sflag:s23] =	ssyncadd.s32 $0xFFFFFFFF  }
0xa5: {  	s26 =	simm.s32 $execute0_lowered;
	[smem:$0x3FD2] =	sst s25  }
0xa6: {  	s4 =	sshll.u32 s26, $0x1;
	_ =	strace $0x8000004C;
	[dreg:$0x1] =	wrdreg $0xFFFFFFFF  }
0xa7: {  	s28 =	simm.s32 $_size_execute0_lowered;
	s2 =	sadd.s32 s2, s4;
	[dreg:$0x0] =	wrdreg $0x0  }
0xa8: {  	s4 =	sshll.u32 s28, $0x1;
	[dreg:$0x2] =	wrdreg s2  }
0xa9: {  	[dreg:$0x3] =	wrdreg s4  }
0xaa: {  	[dreg:$0x4] =	wrdreg $0xC0  }
0xab: {  	_ =	task [dreg:s6], $0x5FFFF  }
0xac: {  	[dreg:$0x1] =	wrdreg $0xFFFFFFFF  }
0xad: {  	[dreg:$0x0] =	wrdreg $0x60  }
0xae: {  	[dreg:$0x2] =	wrdreg s24  }
0xaf: {  	[dreg:$0x3] =	wrdreg $0x90000  }
0xb0: {  	[dreg:$0x4] =	wrdreg $0x9  }
0xb1: {  	_ =	task.clear_ibuf [dreg:s6], $0x5FFFF;
	_ =	strace $0x9000004C  }
0xb2: {  	s29 =	simm.s32 $0x9;
	_ =	strace $0x8000004E  }
0xb3: {  	_ =	swait.ge [sflag:s29], $0x1  }
0xb4: {  	[sflag:s29] =	ssyncadd.s32 $0xFFFFFFFF  }
0xb5: {  	_ =	strace $0x9000004E  }
0xb6: {  	_ =	sfence  }
0xb7: {  	s30 =	sld [smem:$0x0];
	_ =	sdelay $0x2  }
0xb8: {  	s31 =	sshll.u32 s1, $0xD;
	s1 =	sshrl.u32 s1, $0x2  }
0xb9: {  	s3 =	sand.u32 $0x4000, s31;
	s1 =	sadd.s32 s1, s30  }
0xba: {  	s0 =	sor.u32 s3, s0;
	s1 =	sshll.u32 s1, $0x11  }
0xbb: {  	s0 =	sor.u32 s1, s0  }
0xbc: {  	s0 =	sadd.s32 $0x8F2B, s0  }
0xbd: {  	[sflag:s0] =	ssyncadd.remote.s32 $0x1  }
0xbe: {  	_ =	sfence.sel $0xFFFF  }
0xbf: {  	[dreg:$0x0] =	wrdreg $0xFFFFFFFF;
	(pc) =	sbr.abs _section_cstart, $3  }
0xc0: {  	[dreg:$0x1] =	wrdreg $0xFFFFFFFF  }
0xc1: {  	_ =	task.clear_ibuf [dreg:s6], $0x2FFFF;
	_ =	strace $0x9FFFFFFF  }
0xc2: {  	(tm) =	ssettm $0x7FFFFFFF  }
0xc3: {  	_ =	shalt  }
tec
execute0_lowered:
.L_overlay_start_1:
0x0: {  	(tag) =	ssettag $0x1  }
0x1: {  	s6 =	rddreg [dreg:$0x0]  }
0x2: {  	s0 =	srdreg.scid;
	s2 =	rddreg [dreg:$0x1]  }
0x3: {  	s3 =	simm.s32 $0x0;
	s14 =	simm.s32 $0x5000;
	s15 =	simm.s32 $0x2  }
0x4: {  	s16 =	simm.s32 $0x2800;
	s17 =	simm.s32 $0x80;
	s5 =	sand.u32 $0x1, s0  }
0x5: {  	s18 =	simm.s32 $0x1;
	s0 =	stileid.u32;
	s8 =	smul.u32 $0x140000, s5  }
0x6: {  	s21 =	simm.s32 $0x0;
	[smem:$0x7FF] =	sst s3;
	s9 =	smul.u32 $0x14000, s0  }
0x7: {  	s4 =	sadd.s32 $0xDE00, s6;
	s1 =	sshll.u32 s5, $0x4;
	s10 =	smul.u32 $0x50000, s0  }
0x8: {  	s29 =	ssub.s32 $0x2, s5;
	s19 =	sshll.u32 s0, $0x6;
	s1 =	sor.u32 s0, s1  }
0x9: {  	s31 =	sshrl.u32 s29, $0x1;
	s19 =	sor.u32 $0x1C02, s19;
	s7 =	smul.u32 $0x500, s1  }
0xa: {  	s1 =	rddreg [dreg:$0x2];
	_ =	strace $0x8000004D;
	s30 =	sshrl.u32 s10, $0x2  }
0xb: {  	s28 =	sadd.s32 s9, s8;
	s13 =	ssub.s32 s29, s31;
	s5 =	sadd.s32 s30, s2  }
0xc: {  	s13 =	smax.u32 s13, $0x1;
	s11 =	sadd.s32 s7, s6;
	s7 =	sshrl.u32 s28, $0x3  }
0xd: {  	s8 =	sadd.s32 $0xC000, s5;
	s9 =	sadd.s32 $0x10000, s5;
	s20 =	sshrl.u32 s5, $0x3  }
0xe: {  	s12 =	sadd.s32 s7, s6;
	s6 =	sadd.s32 $0x4000, s5;
	s7 =	sadd.s32 $0x8000, s5  }
0xf: {  	v0 =	vimm.f32 $0.0e+00;
	s10 =	sadd.s32 $0x5DE00, s11;
	s11 =	sadd.s32 $0x3E00, s11;
	s12 =	sadd.s32 $0x67E00, s12  }
.LBB2_1:
0x10: {  	s22 =	sand.u32 $0xFE00, s3  }
0x11: {  	s23 =	sand.u32 $0x70, s3;
	s24 =	sshrl.u32 s22, $0x2  }
0x12: {  	s22 =	simm.s32 $0x40;
	s24 =	sor.u32 s23, s24;
	s23 =	simm.s32 $0x0  }
.LBB2_2:
0x13: {  	p0 =	sne.s32 s22, $0xFFC0  }
0x14: {  	[tilespmem:s24+$0x5000] =	vst v0;
	s23 =	sadd.s32 $0x10, s23;
	s24 =	smov.u32 s22;
	s22 =	sadd.s32 $0x40, s22  }
.Ltmp0:
0x15: {  	(pc) =	sbr.rel @p0 .LBB2_2-.Ltmp0, $4  }
0x16: {  	_ = 	snop  }
0x17: {  	s24 =	sand.u32 $0xFE00, s24  }
0x18: {  	s25 =	sand.u32 $0x70, s23;
	s24 =	sshrl.u32 s24, $0x2  }
0x19: {  	s24 =	sor.u32 s25, s24  }
0x1a: {  	[tilespmem:s24+$0x5000] =	vst v0  }
0x1b: {  	[spmem:s5] =	stream.linear.scatter [tilespmem:s14], [sflag:$0x2], $0x4000, $0x38;
	[tilespmem:$0x1D000] =	vst v63  }
0x1c: {  	_ =	swait.ge [sflag:s15], $0x4000  }
0x1d: {  	[sflag:s15] =	ssyncset.done $0x0  }
0x1e: {  	[sflag:s15] =	ssyncadd.s32 $0xFFFFC000  }
0x1f: {  	[spmem:s6] =	stream.linear.scatter [tilespmem:s14], [sflag:$0x2], $0x4000, $0x38;
	[tilespmem:$0x1D000] =	vst v63  }
0x20: {  	_ =	swait.ge [sflag:s15], $0x4000  }
0x21: {  	[sflag:s15] =	ssyncset.done $0x0  }
0x22: {  	[sflag:s15] =	ssyncadd.s32 $0xFFFFC000  }
0x23: {  	[spmem:s7] =	stream.linear.scatter [tilespmem:s14], [sflag:$0x2], $0x4000, $0x38;
	[tilespmem:$0x1D000] =	vst v63  }
0x24: {  	_ =	swait.ge [sflag:s15], $0x4000  }
0x25: {  	[sflag:s15] =	ssyncset.done $0x0  }
0x26: {  	[sflag:s15] =	ssyncadd.s32 $0xFFFFC000  }
0x27: {  	[spmem:s8] =	stream.linear.scatter [tilespmem:s14], [sflag:$0x2], $0x4000, $0x38;
	[tilespmem:$0x1D000] =	vst v63  }
0x28: {  	_ =	swait.ge [sflag:s15], $0x4000  }
0x29: {  	[sflag:s15] =	ssyncset.done $0x0  }
0x2a: {  	[sflag:s15] =	ssyncadd.s32 $0xFFFFC000  }
0x2b: {  	[spmem:s9] =	stream.linear.scatter [tilespmem:s14], [sflag:$0x2], $0x4000, $0x38;
	[tilespmem:$0x1D000] =	vst v63  }
0x2c: {  	_ =	swait.ge [sflag:s15], $0x4000  }
0x2d: {  	[sflag:s15] =	ssyncset.done $0x0  }
0x2e: {  	s22 =	simm.s32 $0x0;
	[sflag:s15] =	ssyncadd.s32 $0xFFFFC000  }
0x2f: {  	[tilespmem:s22], [sflag:$0x2] =	stream.linear.gather [hbm4b:s10+s22], $0x2780, $0x38;
	[tilespmem:$0x1D000] =	vst v63  }
0x30: {  	_ =	swait.ge [sflag:s15], $0x2780  }
0x31: {  	[sflag:s15] =	ssyncset.done $0x0  }
0x32: {  	[sflag:s15] =	ssyncadd.s32 $0xFFFFD880  }
0x33: {  	[tilespmem:s16], [sflag:$0x2] =	stream.linear.gather [hbm4b:s11+s22], $0x2780, $0x38;
	[tilespmem:$0x1D000] =	vst v63  }
0x34: {  	_ =	swait.ge [sflag:s15], $0x2780  }
0x35: {  	[sflag:s15] =	ssyncset.done $0x0  }
0x36: {  	[sflag:s15] =	ssyncadd.s32 $0xFFFFD880  }
0x37: {  	s30 =	simm.s32 $0x0;
	[bflag:$0x0] =	sbarrier.arrive $0xFFFF  }
0x38: {  	[tilespmem:s14], [sflag:$0x1] =	stream.indirect.gather [hbm4b:s4+s17], $0x80, s30, s17, $0xb8;
	[tilespmem:$0x1D000] =	vst v63  }
0x39: {  	_ =	swait.ge [sflag:s18], $0x4000  }
0x3a: {  	[sflag:s18] =	ssyncset.done $0x0  }
0x3b: {  	s31 =	simm.s32 $0x2800;
	[sflag:s18] =	ssyncadd.s32 $0xFFFFC000  }
0x3c: {  	[spmem:s2] =	stream.indirect.scatter.add.f32 [tilespmem:s14], [sflag:$0x2], $0x80, s31, s17, $0xb8;
	[tilespmem:$0x1D000] =	vst v63  }
0x3d: {  	_ =	swait.ge [sflag:s15], $0x4000  }
0x3e: {  	s23 =	simm.s32 $0x400;
	s22 =	simm.s32 $0x200;
	[sflag:s15] =	ssyncset.done $0x0  }
.LBB2_4:
0x3f: {  	s24 =	sshra.s32 s22, $0x2  }
0x40: {  	[sflag:s15] =	ssyncadd.s32 $0xFFFFC000;
	s22 =	smov.u32 s23;
	s25 =	sadd.s32 $0x200, s23  }
0x41: {  	[tilespmem:s14], [sflag:$0x1] =	stream.indirect.gather [hbm4b:s4+s17], $0x80, s24, s17, $0xb8;
	[tilespmem:$0x1D000] =	vst v63  }
0x42: {  	p0 =	sne.s32 s23, $0x9C00;
	_ =	swait.ge [sflag:s18], $0x4000  }
.Ltmp1:
0x43: {  	[sflag:s18] =	ssyncset.done $0x0;
	(pc) =	sbr.rel @p0 .LBB2_4-.Ltmp1, $4  }
0x44: {  	s23 =	sadd.s32 $0x2800, s24;
	[sflag:s18] =	ssyncadd.s32 $0xFFFFC000  }
0x45: {  	[spmem:s2] =	stream.indirect.scatter.add.f32 [tilespmem:s14], [sflag:$0x2], $0x80, s23, s17, $0xb8;
	[tilespmem:$0x1D000] =	vst v63  }
0x46: {  	_ =	swait.ge [sflag:s15], $0x4000  }
0x47: {  	s23 =	smov.u32 s25;
	[sflag:s15] =	ssyncset.done $0x0  }
0x48: {  	s22 =	sshra.s32 s22, $0x2;
	[sflag:s15] =	ssyncadd.s32 $0xFFFFC000  }
0x49: {  	[tilespmem:s14], [sflag:$0x1] =	stream.indirect.gather [hbm4b:s4+s17], $0x80, s22, s17, $0xb8;
	[tilespmem:$0x1D000] =	vst v63  }
0x4a: {  	_ =	swait.ge [sflag:s18], $0x4000  }
0x4b: {  	[sflag:s18] =	ssyncset.done $0x0  }
0x4c: {  	s22 =	sadd.s32 $0x2800, s22;
	[sflag:s18] =	ssyncadd.s32 $0xFFFFC000  }
0x4d: {  	[spmem:s2] =	stream.indirect.scatter.add.f32 [tilespmem:s14], [sflag:$0x2], $0x80, s22, s17, $0xb8;
	[tilespmem:$0x1D000] =	vst v63  }
0x4e: {  	_ =	swait.ge [sflag:s15], $0x4000  }
0x4f: {  	s21 =	sadd.s32 $0x1, s21;
	[sflag:s15] =	ssyncset.done $0x0  }
0x50: {  	p0 =	sne.s32 s21, s13;
	[sflag:s15] =	ssyncadd.s32 $0xFFFFC000  }
.Ltmp2:
0x51: {  	[bflag:$0x0] =	sbarrier.arrive $0xFFFF;
	(pc) =	sbr.rel @p0 .LBB2_1-.Ltmp2, $4  }
0x52: {  	[hbm:s12], [sflag:s19] =	dma.local [spmem:s20], $0x2800  }
0x53: {  	_ =	swait.ge [sflag:s15], $0x2800  }
0x54: {  	[sflag:s15] =	ssyncset.done $0x0  }
0x55: {  	[sflag:s15] =	ssyncadd.s32 $0xFFFFD800  }
0x56: {  	_ =	sfence.sel $0x180000  }
0x57: {  	[bflag:$0x0] =	sbarrier.arrive $0xFFFF  }
0x58: {  	p0 =	sne.s32 s0, $0x0;
	_ =	strace $0x9000004D  }
0x59: {  	s0 =	sadd.s32 @!p0 $0x100000, s1;
	[bflag:$0x2] =	sbarrier.arrive $0xFFFF  }
0x5a: {  	[sflag:s0] =	ssyncadd.tile.s32 @!p0 $0x1;
	_ =	shalt  }
.Lfunc_end2:
_tile_overlayer_lowered:
.L_overlay_start_2:
0x5b: {  	(tag) =	ssettag $0x2  }
0x5c: {  	s0 =	rddreg [dreg:$0x0];
	s2 =	stileid.u32  }
0x5d: {  	s1 =	rddreg [dreg:$0x1];
	p0 =	sne.s32 s2, $0x0  }
0x5e: {  	s3 =	rddreg [dreg:$0x2];
	[bflag:$0x3] =	sbarrier.arrive $0xFFFF;
	s2 =	simm.s32 @!p0 $0x1C02  }
0x5f: {  	[timem:s3], [sflag:s2] =	dma.local @!p0 [hbm:s0], s1  }
0x60: {  	s0 =	simm.s32 @!p0 $0x2  }
0x61: {  	_ =	swait.ge @!p0 [sflag:s0], s1  }
0x62: {  	s1 =	ssub.s32 @!p0 $0x0, s1;
	[sflag:s0] =	ssyncset.done @!p0 $0x0  }
0x63: {  	[sflag:s0] =	ssyncadd.s32 @!p0 s1  }
0x64: {  	[bflag:$0x3] =	sbarrier.arrive $0xFFFF  }
0x65: {  	_ =	shalt  }

// kernel: kernel.8.cloned.1.call-start
scs
__scs_entry_jumppad:
0x0: {  	(pc) =	sbr.rel $0x88, $3  }
0x1: {  	(tag) =	ssettag $0x0;
	lr =	simm.s32 $0x1  }
0x2: {  	[smem:$0x3F8A] =	sst lr;
	_ =	strace $0xD0000000  }
0x3: {  	_ = 	snop  }
0x4: {  	_ = 	snop  }
0x5: {  	_ = 	snop  }
0x6: {  	_ = 	snop  }
0x7: {  	_ = 	snop  }
__scs_overlays_trampoline_lowered:
0x8: {  	[smem:$0x3F99] =	sst s0  }
0x9: {  	[smem:$0x3F9A] =	sst s1  }
0xa: {  	[smem:$0x3F9B] =	sst s2  }
0xb: {  	[smem:$0x3F9C] =	sst s3  }
0xc: {  	[smem:$0x3F9D] =	sst s4  }
0xd: {  	[smem:$0x3F9E] =	sst s5  }
0xe: {  	[smem:$0x3F9F] =	sst s6  }
0xf: {  	[smem:$0x3FA0] =	sst s7  }
0x10: {  	[smem:$0x3FA1] =	sst s8  }
0x11: {  	[smem:$0x3FA2] =	sst s9;
	s0 =	simm.s32 @!p0 $0x0  }
0x12: {  	s1 =	sld [smem:$0x3F88];
	s0 =	simm.s32 @p0 $0x1  }
0x13: {  	[smem:$0x3FA3] =	sst s0;
	s0 =	simm.s32 @!p1 $0x0  }
0x14: {  	s2 =	sld [smem:$0x3F87];
	s0 =	simm.s32 @p1 $0x1  }
0x15: {  	[smem:$0x3FA4] =	sst s0;
	s0 =	simm.s32 @!p2 $0x0  }
0x16: {  	s3 =	sld [smem:$0x3FDB];
	s0 =	simm.s32 @p2 $0x1  }
0x17: {  	s4 =	simm.s32 $0x1BF5;
	[smem:$0x3FA6] =	sst s0  }
0x18: {  	s0 =	sld [smem:$0x3F89];
	_ =	swait.ge [sflag:s4], $0x0  }
0x19: {  	s7 =	sld [smem:$0x3F8A]  }
0x1a: {  	s8 =	sadd.s32 $0xFFFFE003, lr  }
0x1b: {  	s9 =	sadd.s32 $0xFFFFFEF7, lr;
	s5 =	simm.s32 $0xFFFFFFFF;
	p2 =	slt.u32 s8, $0xFFFFF086  }
0x1c: {  	p1 =	slt.u32 s9, $0xF7A;
	s5 =	simm.s32 @!p2 $0x0  }
0x1d: {  	s5 =	simm.s32 @p1 $0x1;
	p0 =	seq.s32 s7, s2  }
0x1e: {  	s7 =	smul.u32 @!p0 $0xF7A, s2;
	p2 =	seq.s32 @!p0 s5, $0x0  }
0x1f: {  	s9 =	smul.u32 $0xF7A, s1;
	s8 =	simm.s32 @!p0 $0x1BF5;
	p2 =	por !p2, p0  }
0x20: {  	[sflag:s8] =	ssyncset.s32 @!p0 $0xFFFFF086;
	s6 =	sadd.s32 @!p0 s3, s7;
	s7 =	simm.s32 @!p0 $0x108  }
0x21: {  	s3 =	sadd.s32 s3, s9;
	s6 =	sadd.s32 @!p0 $0x88, s6;
	s7 =	simm.s32 @p2 $0x1082  }
0x22: {  	[simem:s7], [sflag:s8] =	dma.local @!p0 [hbm:s6], $0xF7A  }
0x23: {  	s9 =	sor.u32 $0xD0000000, s2;
	s6 =	simm.s32 $0x108;
	_ =	swait.ge @!p0 [sflag:s8], $0x0  }
0x24: {  	s3 =	sadd.s32 $0x88, s3;
	s6 =	simm.s32 @!p1 $0x1082;
	[sflag:s4] =	ssyncset.s32 $0xFFFFF086  }
0x25: {  	[simem:s6], [sflag:s4] =	dma.local [hbm:s3], $0xF7A  }
0x26: {  	[smem:$0x3F8A] =	sst s1;
	(tag) =	ssettag s2;
	_ =	strace s9  }
0x27: {  	s1 =	sld [smem:$0x3F9A]  }
0x28: {  	s2 =	sld [smem:$0x3F9B]  }
0x29: {  	s4 =	sld [smem:$0x3F9D]  }
0x2a: {  	p0 =	seq.s32 s5, $0x0;
	s5 =	sld [smem:$0x3F9E]  }
0x2b: {  	s6 =	sld [smem:$0x3F9F]  }
0x2c: {  	s7 =	sld [smem:$0x3FA0]  }
0x2d: {  	s3 =	simm.s32 $0x108;
	s8 =	sld [smem:$0x3FA1]  }
0x2e: {  	s3 =	simm.s32 @!p0 $0x1082;
	s9 =	sld [smem:$0x3FA2]  }
0x2f: {  	lr =	sadd.s32 s0, s3;
	s0 =	sld [smem:$0x3F99]  }
0x30: {  	s3 =	sld [smem:$0x3F9C]  }
0x31: {  	[smem:$0x3FA5] =	sst s10  }
0x32: {  	s10 =	sld [smem:$0x3FA3];
	_ =	sdelay $0x3  }
0x33: {  	p0 =	seq.s32 s10, $0x1;
	s10 =	sld [smem:$0x3FA5];
	_ =	sdelay $0x3  }
0x34: {  	[smem:$0x3FA5] =	sst s10  }
0x35: {  	s10 =	sld [smem:$0x3FA4];
	_ =	sdelay $0x3  }
0x36: {  	p1 =	seq.s32 s10, $0x1;
	s10 =	sld [smem:$0x3FA5];
	_ =	sdelay $0x3  }
0x37: {  	[smem:$0x3FA5] =	sst s10  }
0x38: {  	s10 =	sld [smem:$0x3FA6]  }
0x39: {  	_ = 	snop;
	(pc) =	sbr.ind lr, $3  }
0x3a: {  	_ = 	snop  }
0x3b: {  	_ = 	snop  }
0x3c: {  	p2 =	seq.s32 s10, $0x1;
	s10 =	sld [smem:$0x3FA5]  }
0x3d: {  	_ =	shalt  }
0x3e: {  	_ =	shalt  }
0x3f: {  	_ =	shalt  }
0x40: {  	_ =	shalt  }
0x41: {  	_ =	shalt  }
0x42: {  	_ =	shalt  }
0x43: {  	_ =	shalt  }
0x44: {  	_ =	shalt  }
0x45: {  	_ =	shalt  }
0x46: {  	_ =	shalt  }
0x47: {  	_ =	shalt  }
0x48: {  	_ =	shalt  }
0x49: {  	_ =	shalt  }
0x4a: {  	_ =	shalt  }
0x4b: {  	_ =	shalt  }
0x4c: {  	_ =	shalt  }
0x4d: {  	_ =	shalt  }
0x4e: {  	_ =	shalt  }
0x4f: {  	_ =	shalt  }
0x50: {  	_ =	shalt  }
0x51: {  	_ =	shalt  }
0x52: {  	_ =	shalt  }
0x53: {  	_ =	shalt  }
0x54: {  	_ =	shalt  }
0x55: {  	_ =	shalt  }
0x56: {  	_ =	shalt  }
0x57: {  	_ =	shalt  }
0x58: {  	_ =	shalt  }
0x59: {  	_ =	shalt  }
0x5a: {  	_ =	shalt  }
0x5b: {  	_ =	shalt  }
0x5c: {  	_ =	shalt  }
0x5d: {  	_ =	shalt  }
0x5e: {  	_ =	shalt  }
0x5f: {  	_ =	shalt  }
0x60: {  	_ =	shalt  }
0x61: {  	_ =	shalt  }
0x62: {  	_ =	shalt  }
0x63: {  	_ =	shalt  }
0x64: {  	_ =	shalt  }
0x65: {  	_ =	shalt  }
0x66: {  	_ =	shalt  }
0x67: {  	_ =	shalt  }
0x68: {  	_ =	shalt  }
0x69: {  	_ =	shalt  }
0x6a: {  	_ =	shalt  }
0x6b: {  	_ =	shalt  }
0x6c: {  	_ =	shalt  }
0x6d: {  	_ =	shalt  }
0x6e: {  	_ =	shalt  }
0x6f: {  	_ =	shalt  }
0x70: {  	_ =	shalt  }
0x71: {  	_ =	shalt  }
0x72: {  	_ =	shalt  }
0x73: {  	_ =	shalt  }
0x74: {  	_ =	shalt  }
0x75: {  	_ =	shalt  }
0x76: {  	_ =	shalt  }
0x77: {  	_ =	shalt  }
0x78: {  	_ =	shalt  }
0x79: {  	_ =	shalt  }
0x7a: {  	_ =	shalt  }
0x7b: {  	_ =	shalt  }
0x7c: {  	_ =	shalt  }
0x7d: {  	_ =	shalt  }
0x7e: {  	_ =	shalt  }
0x7f: {  	_ =	shalt  }
0x80: {  	_ =	shalt  }
0x81: {  	_ =	shalt  }
0x82: {  	_ =	shalt  }
0x83: {  	_ =	shalt  }
0x84: {  	_ =	shalt  }
0x85: {  	_ =	shalt  }
0x86: {  	_ =	shalt  }
0x87: {  	_ =	shalt  }
.Lfunc_end0:
.L_simem_size_0:
called_computation_lowered:
.L_overlay_start_0:
0x88: {  	s2 =	sld [smem:$0x3FD9]  }
0x89: {  	s3 =	sld [smem:$0x3FFE];
	_ =	sdelay $0x1  }
0x8a: {  	s1 =	srdreg.scid  }
0x8b: {  	s0 =	sand.u32 $0x1, s1  }
0x8c: {  	s16 =	sshll.u32 s0, $0xA;
	s2 =	sadd.s32 s3, s2  }
0x8d: {  	s2 =	sadd.s32 s2, s16  }
0x8e: {  	[smem:$0x3FB1] =	sst s2  }
0x8f: {  	_ = 	snop  }
0x90: {  	(tm) =	ssettm $0x1  }
0x91: {  	s17 =	sld [smem:$0x3FFB];
	_ =	sdelay $0x3  }
0x92: {  	_ =	strace s17  }
0x93: {  	s2 =	sld [smem:$0x3FFC];
	_ =	sdelay $0x3  }
0x94: {  	_ =	strace s2  }
0x95: {  	s2 =	sld [smem:$0x3FFD];
	_ =	sdelay $0x3  }
0x96: {  	_ =	strace s2  }
0x97: {  	_ =	strace $0x8FFFFFFF  }
0x98: {  	s18 =	sld [smem:$0x3FDB];
	_ =	sdelay $0x1  }
0x99: {  	s19 =	simm.s32 $_scs_section_size  }
0x9a: {  	s4 =	simm.s32 $_size__tile_overlayer_lowered;
	s5 =	simm.s32 $_tile_overlayer_lowered  }
0x9b: {  	s22 =	simm.s32 $0x1BFF;
	s21 =	sshll.u32 s5, $0x1;
	s2 =	sadd.s32 s19, s18  }
0x9c: {  	s6 =	simm.s32 $0x0;
	s20 =	sshll.u32 s4, $0x1;
	s4 =	sadd.s32 s21, s2  }
0x9d: {  	[timem:s6], [sflag:s22] =	dma.local [hbm:s4], s20  }
0x9e: {  	_ =	swait.ge [sflag:s22], s20  }
0x9f: {  	s3 =	ssub.s32 $0x0, s20;
	[sflag:s22] =	ssyncset.done $0x0  }
0xa0: {  	[sflag:s22] =	ssyncadd.s32 s3;
	_ =	sdelay $0x1  }
0xa1: {  	s23 =	simm.s32 $0x1B8B  }
0xa2: {  	_ =	swait.ge [sflag:s23], $0x1  }
0xa3: {  	[sflag:s23] =	ssyncset.done $0x0  }
0xa4: {  	s25 =	simm.s32 $0x1B8E;
	s24 =	sld [smem:$0x3FFE];
	[sflag:s23] =	ssyncadd.s32 $0xFFFFFFFF  }
0xa5: {  	s26 =	simm.s32 $execute0_lowered;
	[smem:$0x3FD2] =	sst s25  }
0xa6: {  	s4 =	sshll.u32 s26, $0x1;
	_ =	strace $0x80000046;
	[dreg:$0x1] =	wrdreg $0xFFFFFFFF  }
0xa7: {  	s28 =	simm.s32 $_size_execute0_lowered;
	s2 =	sadd.s32 s2, s4;
	[dreg:$0x0] =	wrdreg $0x0  }
0xa8: {  	s4 =	sshll.u32 s28, $0x1;
	[dreg:$0x2] =	wrdreg s2  }
0xa9: {  	[dreg:$0x3] =	wrdreg s4  }
0xaa: {  	[dreg:$0x4] =	wrdreg $0xC0  }
0xab: {  	_ =	task [dreg:s6], $0x5FFFF  }
0xac: {  	[dreg:$0x1] =	wrdreg $0xFFFFFFFF  }
0xad: {  	[dreg:$0x0] =	wrdreg $0x60  }
0xae: {  	[dreg:$0x2] =	wrdreg s24  }
0xaf: {  	[dreg:$0x3] =	wrdreg $0x68000  }
0xb0: {  	[dreg:$0x4] =	wrdreg $0x9  }
0xb1: {  	_ =	task.clear_ibuf [dreg:s6], $0x5FFFF;
	_ =	strace $0x90000046  }
0xb2: {  	s29 =	simm.s32 $0x9;
	_ =	strace $0x80000048  }
0xb3: {  	_ =	swait.ge [sflag:s29], $0x1  }
0xb4: {  	[sflag:s29] =	ssyncadd.s32 $0xFFFFFFFF  }
0xb5: {  	_ =	strace $0x90000048  }
0xb6: {  	_ =	sfence  }
0xb7: {  	s30 =	sld [smem:$0x0];
	_ =	sdelay $0x2  }
0xb8: {  	s31 =	sshll.u32 s1, $0xD;
	s1 =	sshrl.u32 s1, $0x2  }
0xb9: {  	s3 =	sand.u32 $0x4000, s31;
	s1 =	sadd.s32 s1, s30  }
0xba: {  	s0 =	sor.u32 s3, s0;
	s1 =	sshll.u32 s1, $0x11  }
0xbb: {  	s0 =	sor.u32 s1, s0  }
0xbc: {  	s0 =	sadd.s32 $0x8F2B, s0  }
0xbd: {  	[sflag:s0] =	ssyncadd.remote.s32 $0x1  }
0xbe: {  	_ =	sfence.sel $0xFFFF  }
0xbf: {  	[dreg:$0x0] =	wrdreg $0xFFFFFFFF;
	(pc) =	sbr.abs _section_cstart, $3  }
0xc0: {  	[dreg:$0x1] =	wrdreg $0xFFFFFFFF  }
0xc1: {  	_ =	task.clear_ibuf [dreg:s6], $0x2FFFF;
	_ =	strace $0x9FFFFFFF  }
0xc2: {  	(tm) =	ssettm $0x7FFFFFFF  }
0xc3: {  	_ =	shalt  }
tec
execute0_lowered:
.L_overlay_start_1:
0x0: {  	(tag) =	ssettag $0x1  }
0x1: {  	s0 =	srdreg.scid;
	s5 =	rddreg [dreg:$0x0]  }
0x2: {  	s2 =	rddreg [dreg:$0x1];
	s3 =	simm.s32 $0x0;
	s4 =	sand.u32 $0x1, s0  }
0x3: {  	s13 =	simm.s32 $0x1;
	s0 =	stileid.u32;
	s7 =	smul.u32 $0x140000, s4  }
0x4: {  	s14 =	simm.s32 $0x80;
	s17 =	simm.s32 $0x0;
	s8 =	smul.u32 $0x14000, s0  }
0x5: {  	[smem:$0x7FF] =	sst s3;
	s1 =	sshll.u32 s4, $0x4;
	s9 =	smul.u32 $0x50000, s0  }
0x6: {  	s29 =	ssub.s32 $0x2, s4;
	s15 =	sshll.u32 s0, $0x6;
	s1 =	sor.u32 s0, s1  }
0x7: {  	s31 =	sshrl.u32 s29, $0x1;
	s15 =	sor.u32 $0x1C01, s15;
	s6 =	smul.u32 $0x500, s1  }
0x8: {  	s1 =	rddreg [dreg:$0x2];
	_ =	strace $0x80000047;
	s30 =	sshrl.u32 s9, $0x2  }
0x9: {  	s28 =	sadd.s32 s8, s7;
	s12 =	ssub.s32 s29, s31;
	s4 =	sadd.s32 s30, s2  }
0xa: {  	s10 =	sadd.s32 s6, s5;
	s6 =	sshrl.u32 s28, $0x3;
	s7 =	sadd.s32 $0xC000, s4  }
0xb: {  	s8 =	sadd.s32 $0x10000, s4;
	s16 =	sshrl.u32 s4, $0x3;
	s11 =	sadd.s32 s6, s5  }
0xc: {  	s5 =	sadd.s32 $0x4000, s4;
	s6 =	sadd.s32 $0x8000, s4;
	s9 =	sadd.s32 $0x3E00, s10  }
0xd: {  	v0 =	vimm.f32 $0.0e+00;
	v1 =	vimm.f32 $1.000000000e+00;
	s10 =	sadd.s32 $0xDE00, s11;
	s11 =	smax.u32 s12, $0x1;
	s12 =	simm.s32 $0x2800  }
.LBB2_1:
0xe: {  	s18 =	sand.u32 $0xFE00, s3  }
0xf: {  	s19 =	sand.u32 $0x70, s3;
	s20 =	sshrl.u32 s18, $0x2  }
0x10: {  	s18 =	simm.s32 $0x40;
	s20 =	sor.u32 s19, s20;
	s19 =	simm.s32 $0x0  }
.LBB2_2:
0x11: {  	p0 =	sne.s32 s18, $0xFFC0  }
0x12: {  	[tilespmem:s20+$0x2800] =	vst v0;
	s19 =	sadd.s32 $0x10, s19;
	s20 =	smov.u32 s18;
	s18 =	sadd.s32 $0x40, s18  }
.Ltmp0:
0x13: {  	(pc) =	sbr.rel @p0 .LBB2_2-.Ltmp0, $4  }
0x14: {  	_ = 	snop  }
0x15: {  	s20 =	sand.u32 $0xFE00, s20  }
0x16: {  	s21 =	sand.u32 $0x70, s19;
	s20 =	sshrl.u32 s20, $0x2  }
0x17: {  	s20 =	sor.u32 s21, s20  }
0x18: {  	[tilespmem:s20+$0x2800] =	vst v0  }
0x19: {  	[spmem:s4] =	stream.linear.scatter [tilespmem:s12], [sflag:$0x1], $0x4000, $0x38;
	[tilespmem:$0x1A800] =	vst v63  }
0x1a: {  	_ =	swait.ge [sflag:s13], $0x4000  }
0x1b: {  	[sflag:s13] =	ssyncset.done $0x0  }
0x1c: {  	[sflag:s13] =	ssyncadd.s32 $0xFFFFC000  }
0x1d: {  	[spmem:s5] =	stream.linear.scatter [tilespmem:s12], [sflag:$0x1], $0x4000, $0x38;
	[tilespmem:$0x1A800] =	vst v63  }
0x1e: {  	_ =	swait.ge [sflag:s13], $0x4000  }
0x1f: {  	[sflag:s13] =	ssyncset.done $0x0  }
0x20: {  	[sflag:s13] =	ssyncadd.s32 $0xFFFFC000  }
0x21: {  	[spmem:s6] =	stream.linear.scatter [tilespmem:s12], [sflag:$0x1], $0x4000, $0x38;
	[tilespmem:$0x1A800] =	vst v63  }
0x22: {  	_ =	swait.ge [sflag:s13], $0x4000  }
0x23: {  	[sflag:s13] =	ssyncset.done $0x0  }
0x24: {  	[sflag:s13] =	ssyncadd.s32 $0xFFFFC000  }
0x25: {  	[spmem:s7] =	stream.linear.scatter [tilespmem:s12], [sflag:$0x1], $0x4000, $0x38;
	[tilespmem:$0x1A800] =	vst v63  }
0x26: {  	_ =	swait.ge [sflag:s13], $0x4000  }
0x27: {  	[sflag:s13] =	ssyncset.done $0x0  }
0x28: {  	s18 =	simm.s32 $0x0;
	[sflag:s13] =	ssyncadd.s32 $0xFFFFC000  }
0x29: {  	[spmem:s8] =	stream.linear.scatter [tilespmem:s12], [sflag:$0x1], $0x4000, $0x38;
	[tilespmem:$0x1A800] =	vst v63  }
0x2a: {  	s19 =	sand.u32 $0xFE00, s18;
	_ =	swait.ge [sflag:s13], $0x4000  }
0x2b: {  	s31 =	sand.u32 $0x70, s18;
	s21 =	sshrl.u32 s19, $0x2;
	[sflag:s13] =	ssyncset.done $0x0  }
0x2c: {  	s19 =	simm.s32 $0x40;
	s20 =	sor.u32 s31, s21;
	[sflag:s13] =	ssyncadd.s32 $0xFFFFC000  }
.LBB2_4:
0x2d: {  	p0 =	sne.s32 s19, $0xFFC0  }
0x2e: {  	[tilespmem:s20+$0x2800] =	vst v1;
	s18 =	sadd.s32 $0x10, s18;
	s20 =	smov.u32 s19;
	s19 =	sadd.s32 $0x40, s19  }
.Ltmp1:
0x2f: {  	(pc) =	sbr.rel @p0 .LBB2_4-.Ltmp1, $4  }
0x30: {  	_ = 	snop  }
0x31: {  	s20 =	sand.u32 $0xFE00, s20  }
0x32: {  	s21 =	sand.u32 $0x70, s18;
	s20 =	sshrl.u32 s20, $0x2  }
0x33: {  	s20 =	sor.u32 s21, s20  }
0x34: {  	[tilespmem:s20+$0x2800] =	vst v1;
	s18 =	simm.s32 $0x0  }
0x35: {  	[tilespmem:s18], [sflag:$0x1] =	stream.linear.gather [hbm4b:s9+s18], $0x2780, $0x38;
	[tilespmem:$0x1A800] =	vst v63  }
0x36: {  	_ =	swait.ge [sflag:s13], $0x2780  }
0x37: {  	[sflag:s13] =	ssyncset.done $0x0  }
0x38: {  	[sflag:s13] =	ssyncadd.s32 $0xFFFFD880  }
0x39: {  	s31 =	simm.s32 $0x0;
	[bflag:$0x0] =	sbarrier.arrive $0xFFFF  }
0x3a: {  	[spmem:s2] =	stream.indirect.scatter.add.f32 [tilespmem:s12], [sflag:$0x1], $0x80, s31, s14, $0xb8;
	[tilespmem:$0x1A800] =	vst v63  }
0x3b: {  	_ =	swait.ge [sflag:s13], $0x4000  }
0x3c: {  	s18 =	simm.s32 $0x200;
	[sflag:s13] =	ssyncset.done $0x0  }
.LBB2_6:
0x3d: {  	s19 =	sshra.s32 s18, $0x2;
	[sflag:s13] =	ssyncadd.s32 $0xFFFFC000;
	p0 =	sne.s32 s18, $0x9C00  }
0x3e: {  	[spmem:s2] =	stream.indirect.scatter.add.f32 [tilespmem:s12], [sflag:$0x1], $0x80, s19, s14, $0xb8;
	[tilespmem:$0x1A800] =	vst v63  }
.Ltmp2:
0x3f: {  	_ = 	snop;
	(pc) =	sbr.rel @p0 .LBB2_6-.Ltmp2, $4  }
0x40: {  	_ = 	snop  }
0x41: {  	s18 =	sadd.s32 $0x200, s18  }
0x42: {  	_ =	swait.ge [sflag:s13], $0x4000  }
0x43: {  	[sflag:s13] =	ssyncset.done $0x0  }
0x44: {  	s17 =	sadd.s32 $0x1, s17  }
0x45: {  	[sflag:s13] =	ssyncadd.s32 $0xFFFFC000;
	p0 =	sne.s32 s17, s11  }
.Ltmp3:
0x46: {  	[bflag:$0x0] =	sbarrier.arrive $0xFFFF;
	(pc) =	sbr.rel @p0 .LBB2_1-.Ltmp3, $4  }
0x47: {  	[hbm:s10], [sflag:s15] =	dma.local [spmem:s16], $0x2800  }
0x48: {  	_ =	swait.ge [sflag:s13], $0x2800  }
0x49: {  	[sflag:s13] =	ssyncset.done $0x0  }
0x4a: {  	[sflag:s13] =	ssyncadd.s32 $0xFFFFD800  }
0x4b: {  	_ =	sfence.sel $0x180000  }
0x4c: {  	[bflag:$0x0] =	sbarrier.arrive $0xFFFF  }
0x4d: {  	p0 =	sne.s32 s0, $0x0;
	_ =	strace $0x90000047  }
0x4e: {  	s0 =	sadd.s32 @!p0 $0x100000, s1;
	[bflag:$0x2] =	sbarrier.arrive $0xFFFF  }
0x4f: {  	[sflag:s0] =	ssyncadd.tile.s32 @!p0 $0x1;
	_ =	shalt  }
.Lfunc_end2:
_tile_overlayer_lowered:
.L_overlay_start_2:
0x50: {  	(tag) =	ssettag $0x2  }
0x51: {  	s0 =	rddreg [dreg:$0x0];
	s2 =	stileid.u32  }
0x52: {  	s1 =	rddreg [dreg:$0x1];
	p0 =	sne.s32 s2, $0x0  }
0x53: {  	s3 =	rddreg [dreg:$0x2];
	[bflag:$0x3] =	sbarrier.arrive $0xFFFF;
	s2 =	simm.s32 @!p0 $0x1C01  }
0x54: {  	[timem:s3], [sflag:s2] =	dma.local @!p0 [hbm:s0], s1  }
0x55: {  	s0 =	simm.s32 @!p0 $0x1  }
0x56: {  	_ =	swait.ge @!p0 [sflag:s0], s1  }
0x57: {  	s1 =	ssub.s32 @!p0 $0x0, s1;
	[sflag:s0] =	ssyncset.done @!p0 $0x0  }
0x58: {  	[sflag:s0] =	ssyncadd.s32 @!p0 s1  }
0x59: {  	[bflag:$0x3] =	sbarrier.arrive $0xFFFF  }
0x5a: {  	_ =	shalt  }

</sc_bundles>
